<compile_context>
chip_gen: v7x
topology: tpu7x:2x2x1
jax: 0.10.2.dev20260603
libtpu: 0.0.44.dev20260713+nightly
codegen_flags: <defaults>
</compile_context>

<pallas_src>
import jax
import jax.numpy as jnp
from jax import lax
from jax.experimental import pallas as pl
from jax.experimental.pallas import tpu as pltpu
from jax.experimental.pallas import tpu_sc as plsc

N_TRAIN = 100000
FEAT = 27
N_APP = 10
K = 3
BIGF = 3.0e38

N_SUB = 16
N_PAD = 100352
CHUNK = N_PAD // N_SUB
NVEC = CHUNK // 16


def _dist_body(q_ref, xt_ref, d2_ref):
    xt = xt_ref[...]
    q = q_ref[...]
    scale = jnp.max(jnp.abs(xt), axis=1, keepdims=True)
    inv = jnp.where(scale != 0.0, 1.0 / scale, 0.0)
    qs = q * inv
    diff = xt * inv - qs
    d2 = jnp.sum(diff * diff, axis=0, keepdims=True)
    pad = jnp.full((1, N_PAD - N_TRAIN), BIGF, jnp.float32)
    d2_ref[...] = jnp.concatenate([d2, pad], axis=1).reshape((N_PAD,))


def _dist_tc(input_tensor, feats_t):
    return pl.pallas_call(
        _dist_body,
        out_shape=jax.ShapeDtypeStruct((N_PAD,), jnp.float32),
    )(input_tensor, feats_t)


def _fsqrt(a):
    bits = lax.bitcast_convert_type(a, jnp.int32)
    y = lax.bitcast_convert_type((bits >> 1) + jnp.int32(0x1FBD1DF5), jnp.float32)
    for _ in range(4):
        y = 0.5 * (y + a / y)
    return jnp.where(a == 0.0, 0.0, y)


def _topk_body(d2_hbm, labf_hbm, dist_out, res_out, cand_hbm,
               d2_v, stage_d, m_cand,
               lab_v, out_d, out_r, sem):
    c = lax.axis_index("c")
    s = lax.axis_index("s")

    @pl.when(c == 0)
    def _work():
        base = s * CHUNK
        pltpu.sync_copy(d2_hbm.at[pl.ds(base, CHUNK)], d2_v)
        iota = lax.iota(jnp.int32, 16)
        inf = jnp.float32(BIGF)
        bigi = jnp.int32(2**31 - 1)

        finf = jnp.full((16,), BIGF, jnp.float32)
        fbig = jnp.full((16,), 2**31 - 1, jnp.int32)

        UNROLL = 8

        def step(u, carry):
            m1, i1, m2, i2, m3, i3 = carry
            for uu in range(UNROLL):
                j = u * UNROLL + uu
                v = d2_v[pl.ds(j * 16, 16)]
                gi = base + j * 16 + iota
                b1 = v < m1
                b2 = v < m2
                b3 = v < m3
                m3n = jnp.where(b2, m2, jnp.where(b3, v, m3))
                i3n = jnp.where(b2, i2, jnp.where(b3, gi, i3))
                m2n = jnp.where(b1, m1, jnp.where(b2, v, m2))
                i2n = jnp.where(b1, i1, jnp.where(b2, gi, i2))
                m1, i1 = jnp.where(b1, v, m1), jnp.where(b1, gi, i1)
                m2, i2, m3, i3 = m2n, i2n, m3n, i3n
            return m1, i1, m2, i2, m3, i3

        m1, i1, m2, i2, m3, i3 = lax.fori_loop(
            0, NVEC // UNROLL, step, (finf, fbig, finf, fbig, finf, fbig))

        excl = []
        tops = []
        for _ in range(K):
            a1, a2, a3 = m1, m2, m3
            for e in excl:
                a1 = jnp.where(i1 == e, inf, a1)
                a2 = jnp.where(i2 == e, inf, a2)
                a3 = jnp.where(i3 == e, inf, a3)
            mm = jnp.minimum(jnp.minimum(a1, a2), a3)
            mval = jnp.min(mm)
            cand = jnp.where(a1 == mval, i1, fbig)
            cand = jnp.minimum(cand, jnp.where(a2 == mval, i2, fbig))
            cand = jnp.minimum(cand, jnp.where(a3 == mval, i3, fbig))
            midx = jnp.min(cand)
            tops.append((mval, midx))
            excl.append(midx)

        ib = [lax.bitcast_convert_type(tops[k][1], jnp.float32)
              for k in range(K)]
        packed = jnp.where(iota == 0, tops[0][0],
                 jnp.where(iota == 1, tops[1][0],
                 jnp.where(iota == 2, tops[2][0],
                 jnp.where(iota == 3, ib[0],
                 jnp.where(iota == 4, ib[1],
                 jnp.where(iota == 5, ib[2], inf))))))
        stage_d[...] = packed
        pltpu.sync_copy(stage_d, cand_hbm.at[s])
        plsc.subcore_barrier()

        @pl.when(s == 0)
        def _merge():
            pltpu.sync_copy(cand_hbm, m_cand)
            shift3 = jnp.minimum(iota + 3, 15)
            rows_d = []
            rows_i = []
            for r in range(N_SUB):
                row = m_cand[r]
                rows_d.append(jnp.where(iota < K, row, inf))
                bits = plsc.load_gather(
                    m_cand, [jnp.full((16,), r, jnp.int32), shift3])
                ridx = lax.bitcast_convert_type(bits, jnp.int32)
                rows_i.append(jnp.where(iota < K, ridx, bigi))

            excl2 = []
            glob = []
            for _ in range(K):
                vmin, vidx = finf, fbig
                for r in range(N_SUB):
                    row, ridx = rows_d[r], rows_i[r]
                    for e in excl2:
                        row = jnp.where(ridx == e, inf, row)
                    b = row < vmin
                    vmin = jnp.where(b, row, vmin)
                    vidx = jnp.where(b, ridx, vidx)
                mval = jnp.min(vmin)
                midx = jnp.min(jnp.where(vmin == mval, vidx, fbig))
                glob.append((mval, midx))
                excl2.append(midx)

            md = [g[0] for g in glob]
            mi = [g[1] for g in glob]
            d2vec = jnp.where(iota == 0, md[0],
                    jnp.where(iota == 1, md[1],
                    jnp.where(iota == 2, md[2], 1.0)))
            dvec = _fsqrt(d2vec)
            dsafe = jnp.where(dvec == 0.0, 1.0, dvec)
            wvec = jnp.where(iota < K, 1.0 / dsafe, 0.0)
            denom = jnp.sum(wvec)
            wnorm = wvec / denom
            exact = md[0] == 0.0
            onehot0 = jnp.where(iota == 0, 1.0, 0.0)
            avec = jnp.where(exact, onehot0, wnorm)

            app = jnp.minimum(iota, N_APP - 1)
            copies = []
            for k in range(K):
                nk = jnp.minimum(jnp.maximum(mi[k], 0), N_TRAIN - 1)
                idxg = app * N_TRAIN + nk
                copies.append(
                    pltpu.async_copy(labf_hbm.at[idxg], lab_v.at[k], sem))
            for cp in copies:
                cp.wait()

            lanes_ok = iota < N_APP
            res = jnp.zeros((16,), jnp.float32)
            for k in range(K):
                lk = jnp.where(lanes_ok, lab_v[k], 0.0)
                ak = jnp.min(jnp.where(iota == k, avec, BIGF))
                res = res + ak * lk

            out_d[...] = jnp.where(iota < K, dvec, 0.0)
            out_r[...] = res
            pltpu.sync_copy(out_d, dist_out)
            pltpu.sync_copy(out_r, res_out)


def _topk_sc(d2_pad, labels_flat):
    mesh = plsc.VectorSubcoreMesh(core_axis_name="c", subcore_axis_name="s")
    f = pl.kernel(
        _topk_body,
        out_type=(
            jax.ShapeDtypeStruct((16,), jnp.float32),
            jax.ShapeDtypeStruct((16,), jnp.float32),
            jax.ShapeDtypeStruct((N_SUB, 16), jnp.float32),
        ),
        mesh=mesh,
        compiler_params=pltpu.CompilerParams(needs_layout_passes=False),
        scratch_types=[
            pltpu.VMEM((CHUNK,), jnp.float32),
            pltpu.VMEM((16,), jnp.float32),
            pltpu.VMEM((N_SUB, 16), jnp.float32),
            pltpu.VMEM((K, 16), jnp.float32),
            pltpu.VMEM((16,), jnp.float32),
            pltpu.VMEM((16,), jnp.float32),
            pltpu.SemaphoreType.DMA,
        ],
    )
    dist, res, _cand = f(d2_pad, labels_flat)
    return dist, res


def kernel(input_tensor, training_data_features, training_data_labels):
    feats_t = training_data_features.T
    labels_flat = training_data_labels.T.reshape(-1)
    d2_pad = _dist_tc(input_tensor, feats_t)
    dist, res = _topk_sc(d2_pad, labels_flat)
    return dist[:K], res[:N_APP]

# --- scband reference (transcript-rebuilt; emitter-appended) ---
"""Pipeline reference for scband-tfgupta-classifier-75668733821460 (READ-ONLY COPY).

The authoritative reference and input builder live on the scoring server;
editing this copy changes nothing except your own understanding.
"""

import jax, jax.numpy as jnp
import numpy as np

N_TRAIN = 100000
FEAT = 27  # 3 * N_PEAKS_MAX
N_APP = 10
K = 3

def setup_inputs(seed: int = 0) -> dict:
    key = jax.random.key(seed)
    k1, k2, k3 = jax.random.split(key, 3)
    input_tensor = jax.random.normal(k1, (FEAT, 1), dtype=jnp.float32)
    training_data_features = jax.random.normal(k2, (N_TRAIN, FEAT), dtype=jnp.float32)
    labels_idx = jax.random.randint(k3, (N_TRAIN,), 0, N_APP)
    training_data_labels = jax.nn.one_hot(labels_idx, N_APP, dtype=jnp.float32)
    return {"input_tensor": input_tensor,
            "training_data_features": training_data_features,
            "training_data_labels": training_data_labels}

def _divide_no_nan(a, b):
    b_safe = jnp.where(b != 0, b, 1.0)
    return jnp.where(b != 0, a / b_safe, 0.0)

def reference(input_tensor, training_data_features, training_data_labels):
    # scale_tensor = max(|features|) per feature dim, computed in __init__
    scale = jnp.max(jnp.abs(training_data_features)[..., None], axis=0)  # (FEAT, 1)
    feats_scaled = _divide_no_nan(training_data_features, scale[:, 0])   # (N_TRAIN, FEAT)
    # call_knn body
    scaled_input = _divide_no_nan(input_tensor, scale)                   # (FEAT, 1)
    difference_vectors = feats_scaled - scaled_input[:, 0]               # (N_TRAIN, FEAT)
    distances = jnp.linalg.norm(difference_vectors, axis=1)              # (N_TRAIN,)
    neg_k_smallest, k_smallest_indices = jax.lax.top_k(-distances, K)
    k_smallest_distances = -neg_k_smallest
    label_tensor = jnp.take(training_data_labels, k_smallest_indices, axis=0)  # (K, N_APP)
    # exact-match branch: nearest neighbor at distance 0 -> its label directly
    result_exact = jnp.take(training_data_labels, k_smallest_indices[0], axis=0)
    # inverse-distance weighted voting branch
    k_dist_safe = jnp.where(k_smallest_distances == 0, 1.0, k_smallest_distances)
    weighted_label_tensor = label_tensor / k_dist_safe[:, None]
    temp_a = jnp.sum(weighted_label_tensor, axis=0)
    temp_b = jnp.sum(1.0 / k_dist_safe)
    result_weighted = temp_a / temp_b
    exact = jnp.min(k_smallest_distances) == 0.0
    result = jnp.where(exact, result_exact, result_weighted)
    return k_smallest_distances, result

if __name__ == "__main__":
    import jax
    _d = setup_inputs()
    print(jax.jit(kernel)(*tuple(_d.values())))

</pallas_src>

<mosaic_0001>
#map = affine_map<(d0, d1) -> (0)>
#map1 = affine_map<(d0, d1) -> (0, 0)>
module attributes {stable_mosaic.version = 14 : i64} {
  func.func @_topk_body(%arg0: i32, %arg1: i32, %arg2: memref<100352xf32, #tpu.memory_space<hbm>>, %arg3: memref<1000000xf32, #tpu.memory_space<hbm>>, %arg4: memref<16xf32, #tpu.memory_space<hbm>>, %arg5: memref<16xf32, #tpu.memory_space<hbm>>, %arg6: memref<16x16xf32, #tpu.memory_space<hbm>>, %arg7: memref<6272xf32, #tpu.memory_space<vmem>>, %arg8: memref<16xf32, #tpu.memory_space<vmem>>, %arg9: memref<16x16xf32, #tpu.memory_space<vmem>>, %arg10: memref<3x16xf32, #tpu.memory_space<vmem>>, %arg11: memref<16xf32, #tpu.memory_space<vmem>>, %arg12: memref<16xf32, #tpu.memory_space<vmem>>, %arg13: memref<!tpu.dma_semaphore, #tpu.memory_space<semaphore_mem>>) attributes {dimension_semantics = [#tpu.dimension_semantics<core_parallel>, #tpu.dimension_semantics<subcore_parallel>], iteration_bounds = array<i64: 2, 16>, scalar_prefetch = 0 : i64, scratch_operands = 7 : i64, tpu.core_type = #tpu.core_type<sc_vector_subcore>, window_params = [{transform_indices = #map}, {transform_indices = #map}, {transform_indices = #map}, {transform_indices = #map}, {transform_indices = #map1}]} {
    %eq3A = arith.constant 0 : i32
    %eq3A_0 = arith.cmpi eq, %arg0, %eq3A : i32
    %convert_element_type3A = arith.extui %eq3A_0 : i1 to i32
    %cond3A = arith.constant 0 : i32
    %cond3A_1 = arith.cmpi ne, %convert_element_type3A, %cond3A : i32
    scf.if %cond3A_1 {
      %mul3A = arith.constant 6272 : i32
      %mul3A_2 = arith.muli %arg1, %mul3A : i32
      "tpu.region"() ({
        %run_scoped3A = tpu.sem_alloc : memref<!tpu.dma_semaphore, #tpu.memory_space<semaphore_mem>>
        %dma_start3A = tpu.memref_slice %arg2[%mul3A_2] : memref<100352xf32, #tpu.memory_space<hbm>> -> memref<6272xf32, #tpu.memory_space<hbm>>
        %dma_start3A_169 = tpu.memref_slice %arg2[%mul3A_2] : memref<100352xf32, #tpu.memory_space<hbm>> -> memref<6272xf32, #tpu.memory_space<hbm>>
        tpu.enqueue_dma source(%dma_start3A_169 : memref<6272xf32, #tpu.memory_space<hbm>>) target(%arg7 : memref<6272xf32, #tpu.memory_space<vmem>>) target_semaphore(%run_scoped3A : memref<!tpu.dma_semaphore, #tpu.memory_space<semaphore_mem>>)
        %dma_wait3A = tpu.memref_slice %arg2[%mul3A_2] : memref<100352xf32, #tpu.memory_space<hbm>> -> memref<6272xf32, #tpu.memory_space<hbm>>
        %dma_wait3A_170 = tpu.memref_slice %arg2[%mul3A_2] : memref<100352xf32, #tpu.memory_space<hbm>> -> memref<6272xf32, #tpu.memory_space<hbm>>
        tpu.wait_dma2 semaphore(%run_scoped3A : memref<!tpu.dma_semaphore, #tpu.memory_space<semaphore_mem>>) src(%dma_wait3A_170 : memref<6272xf32, #tpu.memory_space<hbm>>) dst(%arg7 : memref<6272xf32, #tpu.memory_space<vmem>>)
        tpu.yield
      }) : () -> ()
      %iota3A = tpu.iota {dimensions = array<i32: 0>} : vector<16xi32>
      %broadcast_in_dim3A = arith.constant 3.000000e+38 : f32
      %broadcast_in_dim3A_3 = vector.broadcast %broadcast_in_dim3A : f32 to vector<16xf32>
      %broadcast_in_dim3A_4 = arith.constant 2147483647 : i32
      %broadcast_in_dim3A_5 = vector.broadcast %broadcast_in_dim3A_4 : i32 to vector<16xi32>
      %scan3A = arith.constant 0 : i32
      %scan3A_6 = arith.constant 49 : i32
      %scan3A_7 = arith.addi %scan3A, %scan3A_6 : i32
      %scan3A_8 = arith.constant 1 : i32
      %scan3A_9:6 = scf.for %scan3A_169 = %scan3A to %scan3A_7 step %scan3A_8 iter_args(%scan3A_170 = %broadcast_in_dim3A_3, %scan3A_171 = %broadcast_in_dim3A_5, %scan3A_172 = %broadcast_in_dim3A_3, %scan3A_173 = %broadcast_in_dim3A_5, %scan3A_174 = %broadcast_in_dim3A_3, %scan3A_175 = %broadcast_in_dim3A_5) -> (vector<16xf32>, vector<16xi32>, vector<16xf32>, vector<16xi32>, vector<16xf32>, vector<16xi32>)  : i32 {
        %mul3A_176 = arith.constant 8 : i32
        %mul3A_177 = arith.muli %scan3A_169, %mul3A_176 : i32
        %add3A = arith.constant 0 : i32
        %add3A_178 = arith.addi %mul3A_177, %add3A : i32
        %mul3A_179 = arith.constant 16 : i32
        %mul3A_180 = arith.muli %add3A_178, %mul3A_179 : i32
        %get3A = arith.index_cast %mul3A_180 : i32 to index
        %get3A_181 = tpu.vector_load %arg7[%get3A] {strides = array<i32>} : memref<6272xf32, #tpu.memory_space<vmem>>, vector<16xf32>,
        %mul3A_182 = arith.constant 16 : i32
        %mul3A_183 = arith.muli %add3A_178, %mul3A_182 : i32
        %add3A_184 = arith.addi %mul3A_2, %mul3A_183 : i32
        %add3A_185 = vector.broadcast %add3A_184 : i32 to vector<16xi32>
        %add3A_186 = arith.addi %add3A_185, %iota3A : vector<16xi32>
        %lt3A = arith.cmpf olt, %get3A_181, %scan3A_170 : vector<16xf32>
        %lt3A_187 = arith.cmpf olt, %get3A_181, %scan3A_172 : vector<16xf32>
        %lt3A_188 = arith.cmpf olt, %get3A_181, %scan3A_174 : vector<16xf32>
        %select_n3A_189 = arith.select %lt3A_188, %get3A_181, %scan3A_174 : vector<16xi1>, vector<16xf32>
        %select_n3A_190 = arith.select %lt3A_187, %scan3A_172, %select_n3A_189 : vector<16xi1>, vector<16xf32>
        %select_n3A_191 = arith.select %lt3A_188, %add3A_186, %scan3A_175 : vector<16xi1>, vector<16xi32>
        %select_n3A_192 = arith.select %lt3A_187, %scan3A_173, %select_n3A_191 : vector<16xi1>, vector<16xi32>
        %select_n3A_193 = arith.select %lt3A_187, %get3A_181, %scan3A_172 : vector<16xi1>, vector<16xf32>
        %select_n3A_194 = arith.select %lt3A, %scan3A_170, %select_n3A_193 : vector<16xi1>, vector<16xf32>
        %select_n3A_195 = arith.select %lt3A_187, %add3A_186, %scan3A_173 : vector<16xi1>, vector<16xi32>
        %select_n3A_196 = arith.select %lt3A, %scan3A_171, %select_n3A_195 : vector<16xi1>, vector<16xi32>
        %select_n3A_197 = arith.select %lt3A, %get3A_181, %scan3A_170 : vector<16xi1>, vector<16xf32>
        %select_n3A_198 = arith.select %lt3A, %add3A_186, %scan3A_171 : vector<16xi1>, vector<16xi32>
        %mul3A_199 = arith.constant 8 : i32
        %mul3A_200 = arith.muli %scan3A_169, %mul3A_199 : i32
        %add3A_201 = arith.constant 1 : i32
        %add3A_202 = arith.addi %mul3A_200, %add3A_201 : i32
        %mul3A_203 = arith.constant 16 : i32
        %mul3A_204 = arith.muli %add3A_202, %mul3A_203 : i32
        %get3A_205 = arith.index_cast %mul3A_204 : i32 to index
        %get3A_206 = tpu.vector_load %arg7[%get3A_205] {strides = array<i32>} : memref<6272xf32, #tpu.memory_space<vmem>>, vector<16xf32>,
        %mul3A_207 = arith.constant 16 : i32
        %mul3A_208 = arith.muli %add3A_202, %mul3A_207 : i32
        %add3A_209 = arith.addi %mul3A_2, %mul3A_208 : i32
        %add3A_210 = vector.broadcast %add3A_209 : i32 to vector<16xi32>
        %add3A_211 = arith.addi %add3A_210, %iota3A : vector<16xi32>
        %lt3A_212 = arith.cmpf olt, %get3A_206, %select_n3A_197 : vector<16xf32>
        %lt3A_213 = arith.cmpf olt, %get3A_206, %select_n3A_194 : vector<16xf32>
        %lt3A_214 = arith.cmpf olt, %get3A_206, %select_n3A_190 : vector<16xf32>
        %select_n3A_215 = arith.select %lt3A_214, %get3A_206, %select_n3A_190 : vector<16xi1>, vector<16xf32>
        %select_n3A_216 = arith.select %lt3A_213, %select_n3A_194, %select_n3A_215 : vector<16xi1>, vector<16xf32>
        %select_n3A_217 = arith.select %lt3A_214, %add3A_211, %select_n3A_192 : vector<16xi1>, vector<16xi32>
        %select_n3A_218 = arith.select %lt3A_213, %select_n3A_196, %select_n3A_217 : vector<16xi1>, vector<16xi32>
        %select_n3A_219 = arith.select %lt3A_213, %get3A_206, %select_n3A_194 : vector<16xi1>, vector<16xf32>
        %select_n3A_220 = arith.select %lt3A_212, %select_n3A_197, %select_n3A_219 : vector<16xi1>, vector<16xf32>
        %select_n3A_221 = arith.select %lt3A_213, %add3A_211, %select_n3A_196 : vector<16xi1>, vector<16xi32>
        %select_n3A_222 = arith.select %lt3A_212, %select_n3A_198, %select_n3A_221 : vector<16xi1>, vector<16xi32>
        %select_n3A_223 = arith.select %lt3A_212, %get3A_206, %select_n3A_197 : vector<16xi1>, vector<16xf32>
        %select_n3A_224 = arith.select %lt3A_212, %add3A_211, %select_n3A_198 : vector<16xi1>, vector<16xi32>
        %mul3A_225 = arith.constant 8 : i32
        %mul3A_226 = arith.muli %scan3A_169, %mul3A_225 : i32
        %add3A_227 = arith.constant 2 : i32
        %add3A_228 = arith.addi %mul3A_226, %add3A_227 : i32
        %mul3A_229 = arith.constant 16 : i32
        %mul3A_230 = arith.muli %add3A_228, %mul3A_229 : i32
        %get3A_231 = arith.index_cast %mul3A_230 : i32 to index
        %get3A_232 = tpu.vector_load %arg7[%get3A_231] {strides = array<i32>} : memref<6272xf32, #tpu.memory_space<vmem>>, vector<16xf32>,
        %mul3A_233 = arith.constant 16 : i32
        %mul3A_234 = arith.muli %add3A_228, %mul3A_233 : i32
        %add3A_235 = arith.addi %mul3A_2, %mul3A_234 : i32
        %add3A_236 = vector.broadcast %add3A_235 : i32 to vector<16xi32>
        %add3A_237 = arith.addi %add3A_236, %iota3A : vector<16xi32>
        %lt3A_238 = arith.cmpf olt, %get3A_232, %select_n3A_223 : vector<16xf32>
        %lt3A_239 = arith.cmpf olt, %get3A_232, %select_n3A_220 : vector<16xf32>
        %lt3A_240 = arith.cmpf olt, %get3A_232, %select_n3A_216 : vector<16xf32>
        %select_n3A_241 = arith.select %lt3A_240, %get3A_232, %select_n3A_216 : vector<16xi1>, vector<16xf32>
        %select_n3A_242 = arith.select %lt3A_239, %select_n3A_220, %select_n3A_241 : vector<16xi1>, vector<16xf32>
        %select_n3A_243 = arith.select %lt3A_240, %add3A_237, %select_n3A_218 : vector<16xi1>, vector<16xi32>
        %select_n3A_244 = arith.select %lt3A_239, %select_n3A_222, %select_n3A_243 : vector<16xi1>, vector<16xi32>
        %select_n3A_245 = arith.select %lt3A_239, %get3A_232, %select_n3A_220 : vector<16xi1>, vector<16xf32>
        %select_n3A_246 = arith.select %lt3A_238, %select_n3A_223, %select_n3A_245 : vector<16xi1>, vector<16xf32>
        %select_n3A_247 = arith.select %lt3A_239, %add3A_237, %select_n3A_222 : vector<16xi1>, vector<16xi32>
        %select_n3A_248 = arith.select %lt3A_238, %select_n3A_224, %select_n3A_247 : vector<16xi1>, vector<16xi32>
        %select_n3A_249 = arith.select %lt3A_238, %get3A_232, %select_n3A_223 : vector<16xi1>, vector<16xf32>
        %select_n3A_250 = arith.select %lt3A_238, %add3A_237, %select_n3A_224 : vector<16xi1>, vector<16xi32>
        %mul3A_251 = arith.constant 8 : i32
        %mul3A_252 = arith.muli %scan3A_169, %mul3A_251 : i32
        %add3A_253 = arith.constant 3 : i32
        %add3A_254 = arith.addi %mul3A_252, %add3A_253 : i32
        %mul3A_255 = arith.constant 16 : i32
        %mul3A_256 = arith.muli %add3A_254, %mul3A_255 : i32
        %get3A_257 = arith.index_cast %mul3A_256 : i32 to index
        %get3A_258 = tpu.vector_load %arg7[%get3A_257] {strides = array<i32>} : memref<6272xf32, #tpu.memory_space<vmem>>, vector<16xf32>,
        %mul3A_259 = arith.constant 16 : i32
        %mul3A_260 = arith.muli %add3A_254, %mul3A_259 : i32
        %add3A_261 = arith.addi %mul3A_2, %mul3A_260 : i32
        %add3A_262 = vector.broadcast %add3A_261 : i32 to vector<16xi32>
        %add3A_263 = arith.addi %add3A_262, %iota3A : vector<16xi32>
        %lt3A_264 = arith.cmpf olt, %get3A_258, %select_n3A_249 : vector<16xf32>
        %lt3A_265 = arith.cmpf olt, %get3A_258, %select_n3A_246 : vector<16xf32>
        %lt3A_266 = arith.cmpf olt, %get3A_258, %select_n3A_242 : vector<16xf32>
        %select_n3A_267 = arith.select %lt3A_266, %get3A_258, %select_n3A_242 : vector<16xi1>, vector<16xf32>
        %select_n3A_268 = arith.select %lt3A_265, %select_n3A_246, %select_n3A_267 : vector<16xi1>, vector<16xf32>
        %select_n3A_269 = arith.select %lt3A_266, %add3A_263, %select_n3A_244 : vector<16xi1>, vector<16xi32>
        %select_n3A_270 = arith.select %lt3A_265, %select_n3A_248, %select_n3A_269 : vector<16xi1>, vector<16xi32>
        %select_n3A_271 = arith.select %lt3A_265, %get3A_258, %select_n3A_246 : vector<16xi1>, vector<16xf32>
        %select_n3A_272 = arith.select %lt3A_264, %select_n3A_249, %select_n3A_271 : vector<16xi1>, vector<16xf32>
        %select_n3A_273 = arith.select %lt3A_265, %add3A_263, %select_n3A_248 : vector<16xi1>, vector<16xi32>
        %select_n3A_274 = arith.select %lt3A_264, %select_n3A_250, %select_n3A_273 : vector<16xi1>, vector<16xi32>
        %select_n3A_275 = arith.select %lt3A_264, %get3A_258, %select_n3A_249 : vector<16xi1>, vector<16xf32>
        %select_n3A_276 = arith.select %lt3A_264, %add3A_263, %select_n3A_250 : vector<16xi1>, vector<16xi32>
        %mul3A_277 = arith.constant 8 : i32
        %mul3A_278 = arith.muli %scan3A_169, %mul3A_277 : i32
        %add3A_279 = arith.constant 4 : i32
        %add3A_280 = arith.addi %mul3A_278, %add3A_279 : i32
        %mul3A_281 = arith.constant 16 : i32
        %mul3A_282 = arith.muli %add3A_280, %mul3A_281 : i32
        %get3A_283 = arith.index_cast %mul3A_282 : i32 to index
        %get3A_284 = tpu.vector_load %arg7[%get3A_283] {strides = array<i32>} : memref<6272xf32, #tpu.memory_space<vmem>>, vector<16xf32>,
        %mul3A_285 = arith.constant 16 : i32
        %mul3A_286 = arith.muli %add3A_280, %mul3A_285 : i32
        %add3A_287 = arith.addi %mul3A_2, %mul3A_286 : i32
        %add3A_288 = vector.broadcast %add3A_287 : i32 to vector<16xi32>
        %add3A_289 = arith.addi %add3A_288, %iota3A : vector<16xi32>
        %lt3A_290 = arith.cmpf olt, %get3A_284, %select_n3A_275 : vector<16xf32>
        %lt3A_291 = arith.cmpf olt, %get3A_284, %select_n3A_272 : vector<16xf32>
        %lt3A_292 = arith.cmpf olt, %get3A_284, %select_n3A_268 : vector<16xf32>
        %select_n3A_293 = arith.select %lt3A_292, %get3A_284, %select_n3A_268 : vector<16xi1>, vector<16xf32>
        %select_n3A_294 = arith.select %lt3A_291, %select_n3A_272, %select_n3A_293 : vector<16xi1>, vector<16xf32>
        %select_n3A_295 = arith.select %lt3A_292, %add3A_289, %select_n3A_270 : vector<16xi1>, vector<16xi32>
        %select_n3A_296 = arith.select %lt3A_291, %select_n3A_274, %select_n3A_295 : vector<16xi1>, vector<16xi32>
        %select_n3A_297 = arith.select %lt3A_291, %get3A_284, %select_n3A_272 : vector<16xi1>, vector<16xf32>
        %select_n3A_298 = arith.select %lt3A_290, %select_n3A_275, %select_n3A_297 : vector<16xi1>, vector<16xf32>
        %select_n3A_299 = arith.select %lt3A_291, %add3A_289, %select_n3A_274 : vector<16xi1>, vector<16xi32>
        %select_n3A_300 = arith.select %lt3A_290, %select_n3A_276, %select_n3A_299 : vector<16xi1>, vector<16xi32>
        %select_n3A_301 = arith.select %lt3A_290, %get3A_284, %select_n3A_275 : vector<16xi1>, vector<16xf32>
        %select_n3A_302 = arith.select %lt3A_290, %add3A_289, %select_n3A_276 : vector<16xi1>, vector<16xi32>
        %mul3A_303 = arith.constant 8 : i32
        %mul3A_304 = arith.muli %scan3A_169, %mul3A_303 : i32
        %add3A_305 = arith.constant 5 : i32
        %add3A_306 = arith.addi %mul3A_304, %add3A_305 : i32
        %mul3A_307 = arith.constant 16 : i32
        %mul3A_308 = arith.muli %add3A_306, %mul3A_307 : i32
        %get3A_309 = arith.index_cast %mul3A_308 : i32 to index
        %get3A_310 = tpu.vector_load %arg7[%get3A_309] {strides = array<i32>} : memref<6272xf32, #tpu.memory_space<vmem>>, vector<16xf32>,
        %mul3A_311 = arith.constant 16 : i32
        %mul3A_312 = arith.muli %add3A_306, %mul3A_311 : i32
        %add3A_313 = arith.addi %mul3A_2, %mul3A_312 : i32
        %add3A_314 = vector.broadcast %add3A_313 : i32 to vector<16xi32>
        %add3A_315 = arith.addi %add3A_314, %iota3A : vector<16xi32>
        %lt3A_316 = arith.cmpf olt, %get3A_310, %select_n3A_301 : vector<16xf32>
        %lt3A_317 = arith.cmpf olt, %get3A_310, %select_n3A_298 : vector<16xf32>
        %lt3A_318 = arith.cmpf olt, %get3A_310, %select_n3A_294 : vector<16xf32>
        %select_n3A_319 = arith.select %lt3A_318, %get3A_310, %select_n3A_294 : vector<16xi1>, vector<16xf32>
        %select_n3A_320 = arith.select %lt3A_317, %select_n3A_298, %select_n3A_319 : vector<16xi1>, vector<16xf32>
        %select_n3A_321 = arith.select %lt3A_318, %add3A_315, %select_n3A_296 : vector<16xi1>, vector<16xi32>
        %select_n3A_322 = arith.select %lt3A_317, %select_n3A_300, %select_n3A_321 : vector<16xi1>, vector<16xi32>
        %select_n3A_323 = arith.select %lt3A_317, %get3A_310, %select_n3A_298 : vector<16xi1>, vector<16xf32>
        %select_n3A_324 = arith.select %lt3A_316, %select_n3A_301, %select_n3A_323 : vector<16xi1>, vector<16xf32>
        %select_n3A_325 = arith.select %lt3A_317, %add3A_315, %select_n3A_300 : vector<16xi1>, vector<16xi32>
        %select_n3A_326 = arith.select %lt3A_316, %select_n3A_302, %select_n3A_325 : vector<16xi1>, vector<16xi32>
        %select_n3A_327 = arith.select %lt3A_316, %get3A_310, %select_n3A_301 : vector<16xi1>, vector<16xf32>
        %select_n3A_328 = arith.select %lt3A_316, %add3A_315, %select_n3A_302 : vector<16xi1>, vector<16xi32>
        %mul3A_329 = arith.constant 8 : i32
        %mul3A_330 = arith.muli %scan3A_169, %mul3A_329 : i32
        %add3A_331 = arith.constant 6 : i32
        %add3A_332 = arith.addi %mul3A_330, %add3A_331 : i32
        %mul3A_333 = arith.constant 16 : i32
        %mul3A_334 = arith.muli %add3A_332, %mul3A_333 : i32
        %get3A_335 = arith.index_cast %mul3A_334 : i32 to index
        %get3A_336 = tpu.vector_load %arg7[%get3A_335] {strides = array<i32>} : memref<6272xf32, #tpu.memory_space<vmem>>, vector<16xf32>,
        %mul3A_337 = arith.constant 16 : i32
        %mul3A_338 = arith.muli %add3A_332, %mul3A_337 : i32
        %add3A_339 = arith.addi %mul3A_2, %mul3A_338 : i32
        %add3A_340 = vector.broadcast %add3A_339 : i32 to vector<16xi32>
        %add3A_341 = arith.addi %add3A_340, %iota3A : vector<16xi32>
        %lt3A_342 = arith.cmpf olt, %get3A_336, %select_n3A_327 : vector<16xf32>
        %lt3A_343 = arith.cmpf olt, %get3A_336, %select_n3A_324 : vector<16xf32>
        %lt3A_344 = arith.cmpf olt, %get3A_336, %select_n3A_320 : vector<16xf32>
        %select_n3A_345 = arith.select %lt3A_344, %get3A_336, %select_n3A_320 : vector<16xi1>, vector<16xf32>
        %select_n3A_346 = arith.select %lt3A_343, %select_n3A_324, %select_n3A_345 : vector<16xi1>, vector<16xf32>
        %select_n3A_347 = arith.select %lt3A_344, %add3A_341, %select_n3A_322 : vector<16xi1>, vector<16xi32>
        %select_n3A_348 = arith.select %lt3A_343, %select_n3A_326, %select_n3A_347 : vector<16xi1>, vector<16xi32>
        %select_n3A_349 = arith.select %lt3A_343, %get3A_336, %select_n3A_324 : vector<16xi1>, vector<16xf32>
        %select_n3A_350 = arith.select %lt3A_342, %select_n3A_327, %select_n3A_349 : vector<16xi1>, vector<16xf32>
        %select_n3A_351 = arith.select %lt3A_343, %add3A_341, %select_n3A_326 : vector<16xi1>, vector<16xi32>
        %select_n3A_352 = arith.select %lt3A_342, %select_n3A_328, %select_n3A_351 : vector<16xi1>, vector<16xi32>
        %select_n3A_353 = arith.select %lt3A_342, %get3A_336, %select_n3A_327 : vector<16xi1>, vector<16xf32>
        %select_n3A_354 = arith.select %lt3A_342, %add3A_341, %select_n3A_328 : vector<16xi1>, vector<16xi32>
        %mul3A_355 = arith.constant 8 : i32
        %mul3A_356 = arith.muli %scan3A_169, %mul3A_355 : i32
        %add3A_357 = arith.constant 7 : i32
        %add3A_358 = arith.addi %mul3A_356, %add3A_357 : i32
        %mul3A_359 = arith.constant 16 : i32
        %mul3A_360 = arith.muli %add3A_358, %mul3A_359 : i32
        %get3A_361 = arith.index_cast %mul3A_360 : i32 to index
        %get3A_362 = tpu.vector_load %arg7[%get3A_361] {strides = array<i32>} : memref<6272xf32, #tpu.memory_space<vmem>>, vector<16xf32>,
        %mul3A_363 = arith.constant 16 : i32
        %mul3A_364 = arith.muli %add3A_358, %mul3A_363 : i32
        %add3A_365 = arith.addi %mul3A_2, %mul3A_364 : i32
        %add3A_366 = vector.broadcast %add3A_365 : i32 to vector<16xi32>
        %add3A_367 = arith.addi %add3A_366, %iota3A : vector<16xi32>
        %lt3A_368 = arith.cmpf olt, %get3A_362, %select_n3A_353 : vector<16xf32>
        %lt3A_369 = arith.cmpf olt, %get3A_362, %select_n3A_350 : vector<16xf32>
        %lt3A_370 = arith.cmpf olt, %get3A_362, %select_n3A_346 : vector<16xf32>
        %select_n3A_371 = arith.select %lt3A_370, %get3A_362, %select_n3A_346 : vector<16xi1>, vector<16xf32>
        %select_n3A_372 = arith.select %lt3A_369, %select_n3A_350, %select_n3A_371 : vector<16xi1>, vector<16xf32>
        %select_n3A_373 = arith.select %lt3A_370, %add3A_367, %select_n3A_348 : vector<16xi1>, vector<16xi32>
        %select_n3A_374 = arith.select %lt3A_369, %select_n3A_352, %select_n3A_373 : vector<16xi1>, vector<16xi32>
        %select_n3A_375 = arith.select %lt3A_369, %get3A_362, %select_n3A_350 : vector<16xi1>, vector<16xf32>
        %select_n3A_376 = arith.select %lt3A_368, %select_n3A_353, %select_n3A_375 : vector<16xi1>, vector<16xf32>
        %select_n3A_377 = arith.select %lt3A_369, %add3A_367, %select_n3A_352 : vector<16xi1>, vector<16xi32>
        %select_n3A_378 = arith.select %lt3A_368, %select_n3A_354, %select_n3A_377 : vector<16xi1>, vector<16xi32>
        %select_n3A_379 = arith.select %lt3A_368, %get3A_362, %select_n3A_353 : vector<16xi1>, vector<16xf32>
        %select_n3A_380 = arith.select %lt3A_368, %add3A_367, %select_n3A_354 : vector<16xi1>, vector<16xi32>
        scf.yield %select_n3A_379, %select_n3A_380, %select_n3A_376, %select_n3A_378, %select_n3A_372, %select_n3A_374 : vector<16xf32>, vector<16xi32>, vector<16xf32>, vector<16xi32>, vector<16xf32>, vector<16xi32>
      }
      %scan3A_10 = arith.constant 49 : i32
      %min3A = arith.minimumf %scan3A_9#0, %scan3A_9#2 : vector<16xf32>
      %min3A_11 = arith.minimumf %min3A, %scan3A_9#4 : vector<16xf32>
      %reduce_min3A = arith.constant true
      %reduce_min3A_12 = vector.broadcast %reduce_min3A : i1 to vector<16xi1>
      %reduce_min3A_13 = tpu.scan <min>, %min3A_11 masked %reduce_min3A_12 : vector<16xf32>, vector<16xi1> -> vector<16xf32>
      %reduce_min3A_14 = vector.extract %reduce_min3A_13[15] : f32 from vector<16xf32>
      %eq3A_15 = vector.broadcast %reduce_min3A_14 : f32 to vector<16xf32>
      %eq3A_16 = arith.cmpf oeq, %scan3A_9#0, %eq3A_15 : vector<16xf32>
      %select_n3A = arith.select %eq3A_16, %scan3A_9#1, %broadcast_in_dim3A_5 : vector<16xi1>, vector<16xi32>
      %eq3A_17 = vector.broadcast %reduce_min3A_14 : f32 to vector<16xf32>
      %eq3A_18 = arith.cmpf oeq, %scan3A_9#2, %eq3A_17 : vector<16xf32>
      %select_n3A_19 = arith.select %eq3A_18, %scan3A_9#3, %broadcast_in_dim3A_5 : vector<16xi1>, vector<16xi32>
      %min3A_20 = arith.minsi %select_n3A, %select_n3A_19 : vector<16xi32>
      %eq3A_21 = vector.broadcast %reduce_min3A_14 : f32 to vector<16xf32>
      %eq3A_22 = arith.cmpf oeq, %scan3A_9#4, %eq3A_21 : vector<16xf32>
      %select_n3A_23 = arith.select %eq3A_22, %scan3A_9#5, %broadcast_in_dim3A_5 : vector<16xi1>, vector<16xi32>
      %min3A_24 = arith.minsi %min3A_20, %select_n3A_23 : vector<16xi32>
      %reduce_min3A_25 = arith.constant true
      %reduce_min3A_26 = vector.broadcast %reduce_min3A_25 : i1 to vector<16xi1>
      %reduce_min3A_27 = arith.constant -2147483648 : i32
      %reduce_min3A_28 = vector.broadcast %reduce_min3A_27 : i32 to vector<16xi32>
      %reduce_min3A_29 = arith.xori %min3A_24, %reduce_min3A_28 : vector<16xi32>
      %reduce_min3A_30 = tpu.scan <min>, %reduce_min3A_29 masked %reduce_min3A_26 : vector<16xi32>, vector<16xi1> -> vector<16xi32>
      %reduce_min3A_31 = arith.xori %reduce_min3A_30, %reduce_min3A_28 : vector<16xi32>
      %reduce_min3A_32 = vector.extract %reduce_min3A_31[15] : i32 from vector<16xi32>
      %eq3A_33 = vector.broadcast %reduce_min3A_32 : i32 to vector<16xi32>
      %eq3A_34 = arith.cmpi eq, %scan3A_9#1, %eq3A_33 : vector<16xi32>
      %jit3A = arith.constant 3.000000e+38 : f32
      %broadcast_in_dim3A_35 = vector.broadcast %jit3A : f32 to vector<16xf32>
      %select_n3A_36 = arith.select %eq3A_34, %broadcast_in_dim3A_35, %scan3A_9#0 : vector<16xi1>, vector<16xf32>
      %eq3A_37 = vector.broadcast %reduce_min3A_32 : i32 to vector<16xi32>
      %eq3A_38 = arith.cmpi eq, %scan3A_9#3, %eq3A_37 : vector<16xi32>
      %jit3A_39 = arith.constant 3.000000e+38 : f32
      %broadcast_in_dim3A_40 = vector.broadcast %jit3A_39 : f32 to vector<16xf32>
      %select_n3A_41 = arith.select %eq3A_38, %broadcast_in_dim3A_40, %scan3A_9#2 : vector<16xi1>, vector<16xf32>
      %eq3A_42 = vector.broadcast %reduce_min3A_32 : i32 to vector<16xi32>
      %eq3A_43 = arith.cmpi eq, %scan3A_9#5, %eq3A_42 : vector<16xi32>
      %jit3A_44 = arith.constant 3.000000e+38 : f32
      %broadcast_in_dim3A_45 = vector.broadcast %jit3A_44 : f32 to vector<16xf32>
      %select_n3A_46 = arith.select %eq3A_43, %broadcast_in_dim3A_45, %scan3A_9#4 : vector<16xi1>, vector<16xf32>
      %min3A_47 = arith.minimumf %select_n3A_36, %select_n3A_41 : vector<16xf32>
      %min3A_48 = arith.minimumf %min3A_47, %select_n3A_46 : vector<16xf32>
      %reduce_min3A_49 = arith.constant true
      %reduce_min3A_50 = vector.broadcast %reduce_min3A_49 : i1 to vector<16xi1>
      %reduce_min3A_51 = tpu.scan <min>, %min3A_48 masked %reduce_min3A_50 : vector<16xf32>, vector<16xi1> -> vector<16xf32>
      %reduce_min3A_52 = vector.extract %reduce_min3A_51[15] : f32 from vector<16xf32>
      %eq3A_53 = vector.broadcast %reduce_min3A_52 : f32 to vector<16xf32>
      %eq3A_54 = arith.cmpf oeq, %select_n3A_36, %eq3A_53 : vector<16xf32>
      %select_n3A_55 = arith.select %eq3A_54, %scan3A_9#1, %broadcast_in_dim3A_5 : vector<16xi1>, vector<16xi32>
      %eq3A_56 = vector.broadcast %reduce_min3A_52 : f32 to vector<16xf32>
      %eq3A_57 = arith.cmpf oeq, %select_n3A_41, %eq3A_56 : vector<16xf32>
      %select_n3A_58 = arith.select %eq3A_57, %scan3A_9#3, %broadcast_in_dim3A_5 : vector<16xi1>, vector<16xi32>
      %min3A_59 = arith.minsi %select_n3A_55, %select_n3A_58 : vector<16xi32>
      %eq3A_60 = vector.broadcast %reduce_min3A_52 : f32 to vector<16xf32>
      %eq3A_61 = arith.cmpf oeq, %select_n3A_46, %eq3A_60 : vector<16xf32>
      %select_n3A_62 = arith.select %eq3A_61, %scan3A_9#5, %broadcast_in_dim3A_5 : vector<16xi1>, vector<16xi32>
      %min3A_63 = arith.minsi %min3A_59, %select_n3A_62 : vector<16xi32>
      %reduce_min3A_64 = arith.constant true
      %reduce_min3A_65 = vector.broadcast %reduce_min3A_64 : i1 to vector<16xi1>
      %reduce_min3A_66 = arith.constant -2147483648 : i32
      %reduce_min3A_67 = vector.broadcast %reduce_min3A_66 : i32 to vector<16xi32>
      %reduce_min3A_68 = arith.xori %min3A_63, %reduce_min3A_67 : vector<16xi32>
      %reduce_min3A_69 = tpu.scan <min>, %reduce_min3A_68 masked %reduce_min3A_65 : vector<16xi32>, vector<16xi1> -> vector<16xi32>
      %reduce_min3A_70 = arith.xori %reduce_min3A_69, %reduce_min3A_67 : vector<16xi32>
      %reduce_min3A_71 = vector.extract %reduce_min3A_70[15] : i32 from vector<16xi32>
      %eq3A_72 = vector.broadcast %reduce_min3A_32 : i32 to vector<16xi32>
      %eq3A_73 = arith.cmpi eq, %scan3A_9#1, %eq3A_72 : vector<16xi32>
      %jit3A_74 = arith.constant 3.000000e+38 : f32
      %broadcast_in_dim3A_75 = vector.broadcast %jit3A_74 : f32 to vector<16xf32>
      %select_n3A_76 = arith.select %eq3A_73, %broadcast_in_dim3A_75, %scan3A_9#0 : vector<16xi1>, vector<16xf32>
      %eq3A_77 = vector.broadcast %reduce_min3A_32 : i32 to vector<16xi32>
      %eq3A_78 = arith.cmpi eq, %scan3A_9#3, %eq3A_77 : vector<16xi32>
      %jit3A_79 = arith.constant 3.000000e+38 : f32
      %broadcast_in_dim3A_80 = vector.broadcast %jit3A_79 : f32 to vector<16xf32>
      %select_n3A_81 = arith.select %eq3A_78, %broadcast_in_dim3A_80, %scan3A_9#2 : vector<16xi1>, vector<16xf32>
      %eq3A_82 = vector.broadcast %reduce_min3A_32 : i32 to vector<16xi32>
      %eq3A_83 = arith.cmpi eq, %scan3A_9#5, %eq3A_82 : vector<16xi32>
      %jit3A_84 = arith.constant 3.000000e+38 : f32
      %broadcast_in_dim3A_85 = vector.broadcast %jit3A_84 : f32 to vector<16xf32>
      %select_n3A_86 = arith.select %eq3A_83, %broadcast_in_dim3A_85, %scan3A_9#4 : vector<16xi1>, vector<16xf32>
      %eq3A_87 = vector.broadcast %reduce_min3A_71 : i32 to vector<16xi32>
      %eq3A_88 = arith.cmpi eq, %scan3A_9#1, %eq3A_87 : vector<16xi32>
      %jit3A_89 = arith.constant 3.000000e+38 : f32
      %broadcast_in_dim3A_90 = vector.broadcast %jit3A_89 : f32 to vector<16xf32>
      %select_n3A_91 = arith.select %eq3A_88, %broadcast_in_dim3A_90, %select_n3A_76 : vector<16xi1>, vector<16xf32>
      %eq3A_92 = vector.broadcast %reduce_min3A_71 : i32 to vector<16xi32>
      %eq3A_93 = arith.cmpi eq, %scan3A_9#3, %eq3A_92 : vector<16xi32>
      %jit3A_94 = arith.constant 3.000000e+38 : f32
      %broadcast_in_dim3A_95 = vector.broadcast %jit3A_94 : f32 to vector<16xf32>
      %select_n3A_96 = arith.select %eq3A_93, %broadcast_in_dim3A_95, %select_n3A_81 : vector<16xi1>, vector<16xf32>
      %eq3A_97 = vector.broadcast %reduce_min3A_71 : i32 to vector<16xi32>
      %eq3A_98 = arith.cmpi eq, %scan3A_9#5, %eq3A_97 : vector<16xi32>
      %jit3A_99 = arith.constant 3.000000e+38 : f32
      %broadcast_in_dim3A_100 = vector.broadcast %jit3A_99 : f32 to vector<16xf32>
      %select_n3A_101 = arith.select %eq3A_98, %broadcast_in_dim3A_100, %select_n3A_86 : vector<16xi1>, vector<16xf32>
      %min3A_102 = arith.minimumf %select_n3A_91, %select_n3A_96 : vector<16xf32>
      %min3A_103 = arith.minimumf %min3A_102, %select_n3A_101 : vector<16xf32>
      %reduce_min3A_104 = arith.constant true
      %reduce_min3A_105 = vector.broadcast %reduce_min3A_104 : i1 to vector<16xi1>
      %reduce_min3A_106 = tpu.scan <min>, %min3A_103 masked %reduce_min3A_105 : vector<16xf32>, vector<16xi1> -> vector<16xf32>
      %reduce_min3A_107 = vector.extract %reduce_min3A_106[15] : f32 from vector<16xf32>
      %eq3A_108 = vector.broadcast %reduce_min3A_107 : f32 to vector<16xf32>
      %eq3A_109 = arith.cmpf oeq, %select_n3A_91, %eq3A_108 : vector<16xf32>
      %select_n3A_110 = arith.select %eq3A_109, %scan3A_9#1, %broadcast_in_dim3A_5 : vector<16xi1>, vector<16xi32>
      %eq3A_111 = vector.broadcast %reduce_min3A_107 : f32 to vector<16xf32>
      %eq3A_112 = arith.cmpf oeq, %select_n3A_96, %eq3A_111 : vector<16xf32>
      %select_n3A_113 = arith.select %eq3A_112, %scan3A_9#3, %broadcast_in_dim3A_5 : vector<16xi1>, vector<16xi32>
      %min3A_114 = arith.minsi %select_n3A_110, %select_n3A_113 : vector<16xi32>
      %eq3A_115 = vector.broadcast %reduce_min3A_107 : f32 to vector<16xf32>
      %eq3A_116 = arith.cmpf oeq, %select_n3A_101, %eq3A_115 : vector<16xf32>
      %select_n3A_117 = arith.select %eq3A_116, %scan3A_9#5, %broadcast_in_dim3A_5 : vector<16xi1>, vector<16xi32>
      %min3A_118 = arith.minsi %min3A_114, %select_n3A_117 : vector<16xi32>
      %reduce_min3A_119 = arith.constant true
      %reduce_min3A_120 = vector.broadcast %reduce_min3A_119 : i1 to vector<16xi1>
      %reduce_min3A_121 = arith.constant -2147483648 : i32
      %reduce_min3A_122 = vector.broadcast %reduce_min3A_121 : i32 to vector<16xi32>
      %reduce_min3A_123 = arith.xori %min3A_118, %reduce_min3A_122 : vector<16xi32>
      %reduce_min3A_124 = tpu.scan <min>, %reduce_min3A_123 masked %reduce_min3A_120 : vector<16xi32>, vector<16xi1> -> vector<16xi32>
      %reduce_min3A_125 = arith.xori %reduce_min3A_124, %reduce_min3A_122 : vector<16xi32>
      %reduce_min3A_126 = vector.extract %reduce_min3A_125[15] : i32 from vector<16xi32>
      %bitcast_convert_type3A = arith.bitcast %reduce_min3A_32 : i32 to f32
      %bitcast_convert_type3A_127 = arith.bitcast %reduce_min3A_71 : i32 to f32
      %bitcast_convert_type3A_128 = arith.bitcast %reduce_min3A_126 : i32 to f32
      %eq3A_129 = arith.constant 0 : i32
      %eq3A_130 = vector.broadcast %eq3A_129 : i32 to vector<16xi32>
      %eq3A_131 = arith.cmpi eq, %iota3A, %eq3A_130 : vector<16xi32>
      %eq3A_132 = arith.constant 1 : i32
      %eq3A_133 = vector.broadcast %eq3A_132 : i32 to vector<16xi32>
      %eq3A_134 = arith.cmpi eq, %iota3A, %eq3A_133 : vector<16xi32>
      %eq3A_135 = arith.constant 2 : i32
      %eq3A_136 = vector.broadcast %eq3A_135 : i32 to vector<16xi32>
      %eq3A_137 = arith.cmpi eq, %iota3A, %eq3A_136 : vector<16xi32>
      %eq3A_138 = arith.constant 3 : i32
      %eq3A_139 = vector.broadcast %eq3A_138 : i32 to vector<16xi32>
      %eq3A_140 = arith.cmpi eq, %iota3A, %eq3A_139 : vector<16xi32>
      %eq3A_141 = arith.constant 4 : i32
      %eq3A_142 = vector.broadcast %eq3A_141 : i32 to vector<16xi32>
      %eq3A_143 = arith.cmpi eq, %iota3A, %eq3A_142 : vector<16xi32>
      %eq3A_144 = arith.constant 5 : i32
      %eq3A_145 = vector.broadcast %eq3A_144 : i32 to vector<16xi32>
      %eq3A_146 = arith.cmpi eq, %iota3A, %eq3A_145 : vector<16xi32>
      %jit3A_147 = arith.constant 3.000000e+38 : f32
      %broadcast_in_dim3A_148 = vector.broadcast %bitcast_convert_type3A_128 : f32 to vector<16xf32>
      %broadcast_in_dim3A_149 = vector.broadcast %jit3A_147 : f32 to vector<16xf32>
      %select_n3A_150 = arith.select %eq3A_146, %broadcast_in_dim3A_148, %broadcast_in_dim3A_149 : vector<16xi1>, vector<16xf32>
      %broadcast_in_dim3A_151 = vector.broadcast %bitcast_convert_type3A_127 : f32 to vector<16xf32>
      %select_n3A_152 = arith.select %eq3A_143, %broadcast_in_dim3A_151, %select_n3A_150 : vector<16xi1>, vector<16xf32>
      %broadcast_in_dim3A_153 = vector.broadcast %bitcast_convert_type3A : f32 to vector<16xf32>
      %select_n3A_154 = arith.select %eq3A_140, %broadcast_in_dim3A_153, %select_n3A_152 : vector<16xi1>, vector<16xf32>
      %broadcast_in_dim3A_155 = vector.broadcast %reduce_min3A_107 : f32 to vector<16xf32>
      %select_n3A_156 = arith.select %eq3A_137, %broadcast_in_dim3A_155, %select_n3A_154 : vector<16xi1>, vector<16xf32>
      %broadcast_in_dim3A_157 = vector.broadcast %reduce_min3A_52 : f32 to vector<16xf32>
      %select_n3A_158 = arith.select %eq3A_134, %broadcast_in_dim3A_157, %select_n3A_156 : vector<16xi1>, vector<16xf32>
      %broadcast_in_dim3A_159 = vector.broadcast %reduce_min3A_14 : f32 to vector<16xf32>
      %select_n3A_160 = arith.select %eq3A_131, %broadcast_in_dim3A_159, %select_n3A_158 : vector<16xi1>, vector<16xf32>
      %swap3A = arith.constant 0 : index
      %swap3A_161 = tpu.vector_load %arg8[%swap3A] {strides = array<i32>} : memref<16xf32, #tpu.memory_space<vmem>>, vector<16xf32>,
      tpu.vector_store %arg8[%swap3A], %select_n3A_160 {strides = array<i32>} : memref<16xf32, #tpu.memory_space<vmem>>, vector<16xf32>,
      "tpu.region"() ({
        %run_scoped3A = tpu.sem_alloc : memref<!tpu.dma_semaphore, #tpu.memory_space<semaphore_mem>>
        %dma_start3A = arith.constant 0 : i32
        %dma_start3A_169 = tpu.memref_slice %arg6[%arg1, %dma_start3A] : memref<16x16xf32, #tpu.memory_space<hbm>> -> memref<1x16xf32, #tpu.memory_space<hbm>>
        %dma_start3A_170 = tpu.memref_squeeze %dma_start3A_169 : memref<1x16xf32, #tpu.memory_space<hbm>> -> memref<16xf32, #tpu.memory_space<hbm>>
        %dma_start3A_171 = arith.constant 0 : i32
        %dma_start3A_172 = tpu.memref_slice %arg6[%arg1, %dma_start3A_171] : memref<16x16xf32, #tpu.memory_space<hbm>> -> memref<1x16xf32, #tpu.memory_space<hbm>>
        %dma_start3A_173 = tpu.memref_squeeze %dma_start3A_172 : memref<1x16xf32, #tpu.memory_space<hbm>> -> memref<16xf32, #tpu.memory_space<hbm>>
        tpu.enqueue_dma source(%arg8 : memref<16xf32, #tpu.memory_space<vmem>>) target(%dma_start3A_173 : memref<16xf32, #tpu.memory_space<hbm>>) target_semaphore(%run_scoped3A : memref<!tpu.dma_semaphore, #tpu.memory_space<semaphore_mem>>)
        %dma_wait3A = arith.constant 0 : i32
        %dma_wait3A_174 = tpu.memref_slice %arg6[%arg1, %dma_wait3A] : memref<16x16xf32, #tpu.memory_space<hbm>> -> memref<1x16xf32, #tpu.memory_space<hbm>>
        %dma_wait3A_175 = tpu.memref_squeeze %dma_wait3A_174 : memref<1x16xf32, #tpu.memory_space<hbm>> -> memref<16xf32, #tpu.memory_space<hbm>>
        %dma_wait3A_176 = arith.constant 0 : i32
        %dma_wait3A_177 = tpu.memref_slice %arg6[%arg1, %dma_wait3A_176] : memref<16x16xf32, #tpu.memory_space<hbm>> -> memref<1x16xf32, #tpu.memory_space<hbm>>
        %dma_wait3A_178 = tpu.memref_squeeze %dma_wait3A_177 : memref<1x16xf32, #tpu.memory_space<hbm>> -> memref<16xf32, #tpu.memory_space<hbm>>
        tpu.wait_dma2 semaphore(%run_scoped3A : memref<!tpu.dma_semaphore, #tpu.memory_space<semaphore_mem>>) src(%arg8 : memref<16xf32, #tpu.memory_space<vmem>>) dst(%dma_wait3A_178 : memref<16xf32, #tpu.memory_space<hbm>>)
        tpu.yield
      }) : () -> ()
      %barrier3A = arith.constant 0 : index
      tpu.barrier barrier_id(%barrier3A)
      %eq3A_162 = arith.constant 0 : i32
      %eq3A_163 = arith.cmpi eq, %arg1, %eq3A_162 : i32
      %convert_element_type3A_164 = arith.extui %eq3A_163 : i1 to i32
      %cond3A_165 = arith.constant 3.000000e+38 : f32
      %cond3A_166 = arith.constant 2147483647 : i32
      %cond3A_167 = arith.constant 0 : i32
      %cond3A_168 = arith.cmpi ne, %convert_element_type3A_164, %cond3A_167 : i32
      scf.if %cond3A_168 {
        "tpu.region"() ({
          %run_scoped3A = tpu.sem_alloc : memref<!tpu.dma_semaphore, #tpu.memory_space<semaphore_mem>>
          tpu.enqueue_dma source(%arg6 : memref<16x16xf32, #tpu.memory_space<hbm>>) target(%arg9 : memref<16x16xf32, #tpu.memory_space<vmem>>) target_semaphore(%run_scoped3A : memref<!tpu.dma_semaphore, #tpu.memory_space<semaphore_mem>>)
          tpu.wait_dma2 semaphore(%run_scoped3A : memref<!tpu.dma_semaphore, #tpu.memory_space<semaphore_mem>>) src(%arg6 : memref<16x16xf32, #tpu.memory_space<hbm>>) dst(%arg9 : memref<16x16xf32, #tpu.memory_space<vmem>>)
          tpu.yield
        }) : () -> ()
        %add3A = arith.constant 3 : i32
        %add3A_169 = vector.broadcast %add3A : i32 to vector<16xi32>
        %add3A_170 = arith.addi %iota3A, %add3A_169 : vector<16xi32>
        %min3A_171 = arith.constant 15 : i32
        %min3A_172 = vector.broadcast %min3A_171 : i32 to vector<16xi32>
        %min3A_173 = arith.minsi %add3A_170, %min3A_172 : vector<16xi32>
        %get3A = arith.constant 0 : i32
        %get3A_174 = arith.index_cast %get3A : i32 to index
        %get3A_175 = arith.constant 0 : index
        %get3A_176 = tpu.vector_load %arg9[%get3A_174, %get3A_175] {strides = array<i32>} : memref<16x16xf32, #tpu.memory_space<vmem>>, vector<16xf32>,
        %lt3A = arith.constant 3 : i32
        %lt3A_177 = vector.broadcast %lt3A : i32 to vector<16xi32>
        %lt3A_178 = arith.cmpi slt, %iota3A, %lt3A_177 : vector<16xi32>
        %broadcast_in_dim3A_179 = vector.broadcast %cond3A_165 : f32 to vector<16xf32>
        %select_n3A_180 = arith.select %lt3A_178, %get3A_176, %broadcast_in_dim3A_179 : vector<16xi1>, vector<16xf32>
        %broadcast_in_dim3A_181 = arith.constant 0 : i32
        %broadcast_in_dim3A_182 = vector.broadcast %broadcast_in_dim3A_181 : i32 to vector<16xi32>
        %gather3A = tpu.vector_load_idx %arg9[%broadcast_in_dim3A_182, %min3A_173] : memref<16x16xf32, #tpu.memory_space<vmem>>[vector<16xi32>, vector<16xi32>], vector<16xf32>,
        %bitcast_convert_type3A_183 = tpu.bitcast %gather3A : vector<16xf32> -> vector<16xi32>
        %lt3A_184 = arith.constant 3 : i32
        %lt3A_185 = vector.broadcast %lt3A_184 : i32 to vector<16xi32>
        %lt3A_186 = arith.cmpi slt, %iota3A, %lt3A_185 : vector<16xi32>
        %broadcast_in_dim3A_187 = vector.broadcast %cond3A_166 : i32 to vector<16xi32>
        %select_n3A_188 = arith.select %lt3A_186, %bitcast_convert_type3A_183, %broadcast_in_dim3A_187 : vector<16xi1>, vector<16xi32>
        %get3A_189 = arith.constant 1 : i32
        %get3A_190 = arith.index_cast %get3A_189 : i32 to index
        %get3A_191 = arith.constant 0 : index
        %get3A_192 = tpu.vector_load %arg9[%get3A_190, %get3A_191] {strides = array<i32>} : memref<16x16xf32, #tpu.memory_space<vmem>>, vector<16xf32>,
        %lt3A_193 = arith.constant 3 : i32
        %lt3A_194 = vector.broadcast %lt3A_193 : i32 to vector<16xi32>
        %lt3A_195 = arith.cmpi slt, %iota3A, %lt3A_194 : vector<16xi32>
        %broadcast_in_dim3A_196 = vector.broadcast %cond3A_165 : f32 to vector<16xf32>
        %select_n3A_197 = arith.select %lt3A_195, %get3A_192, %broadcast_in_dim3A_196 : vector<16xi1>, vector<16xf32>
        %broadcast_in_dim3A_198 = arith.constant 1 : i32
        %broadcast_in_dim3A_199 = vector.broadcast %broadcast_in_dim3A_198 : i32 to vector<16xi32>
        %gather3A_200 = tpu.vector_load_idx %arg9[%broadcast_in_dim3A_199, %min3A_173] : memref<16x16xf32, #tpu.memory_space<vmem>>[vector<16xi32>, vector<16xi32>], vector<16xf32>,
        %bitcast_convert_type3A_201 = tpu.bitcast %gather3A_200 : vector<16xf32> -> vector<16xi32>
        %lt3A_202 = arith.constant 3 : i32
        %lt3A_203 = vector.broadcast %lt3A_202 : i32 to vector<16xi32>
        %lt3A_204 = arith.cmpi slt, %iota3A, %lt3A_203 : vector<16xi32>
        %broadcast_in_dim3A_205 = vector.broadcast %cond3A_166 : i32 to vector<16xi32>
        %select_n3A_206 = arith.select %lt3A_204, %bitcast_convert_type3A_201, %broadcast_in_dim3A_205 : vector<16xi1>, vector<16xi32>
        %get3A_207 = arith.constant 2 : i32
        %get3A_208 = arith.index_cast %get3A_207 : i32 to index
        %get3A_209 = arith.constant 0 : index
        %get3A_210 = tpu.vector_load %arg9[%get3A_208, %get3A_209] {strides = array<i32>} : memref<16x16xf32, #tpu.memory_space<vmem>>, vector<16xf32>,
        %lt3A_211 = arith.constant 3 : i32
        %lt3A_212 = vector.broadcast %lt3A_211 : i32 to vector<16xi32>
        %lt3A_213 = arith.cmpi slt, %iota3A, %lt3A_212 : vector<16xi32>
        %broadcast_in_dim3A_214 = vector.broadcast %cond3A_165 : f32 to vector<16xf32>
        %select_n3A_215 = arith.select %lt3A_213, %get3A_210, %broadcast_in_dim3A_214 : vector<16xi1>, vector<16xf32>
        %broadcast_in_dim3A_216 = arith.constant 2 : i32
        %broadcast_in_dim3A_217 = vector.broadcast %broadcast_in_dim3A_216 : i32 to vector<16xi32>
        %gather3A_218 = tpu.vector_load_idx %arg9[%broadcast_in_dim3A_217, %min3A_173] : memref<16x16xf32, #tpu.memory_space<vmem>>[vector<16xi32>, vector<16xi32>], vector<16xf32>,
        %bitcast_convert_type3A_219 = tpu.bitcast %gather3A_218 : vector<16xf32> -> vector<16xi32>
        %lt3A_220 = arith.constant 3 : i32
        %lt3A_221 = vector.broadcast %lt3A_220 : i32 to vector<16xi32>
        %lt3A_222 = arith.cmpi slt, %iota3A, %lt3A_221 : vector<16xi32>
        %broadcast_in_dim3A_223 = vector.broadcast %cond3A_166 : i32 to vector<16xi32>
        %select_n3A_224 = arith.select %lt3A_222, %bitcast_convert_type3A_219, %broadcast_in_dim3A_223 : vector<16xi1>, vector<16xi32>
        %get3A_225 = arith.constant 3 : i32
        %get3A_226 = arith.index_cast %get3A_225 : i32 to index
        %get3A_227 = arith.constant 0 : index
        %get3A_228 = tpu.vector_load %arg9[%get3A_226, %get3A_227] {strides = array<i32>} : memref<16x16xf32, #tpu.memory_space<vmem>>, vector<16xf32>,
        %lt3A_229 = arith.constant 3 : i32
        %lt3A_230 = vector.broadcast %lt3A_229 : i32 to vector<16xi32>
        %lt3A_231 = arith.cmpi slt, %iota3A, %lt3A_230 : vector<16xi32>
        %broadcast_in_dim3A_232 = vector.broadcast %cond3A_165 : f32 to vector<16xf32>
        %select_n3A_233 = arith.select %lt3A_231, %get3A_228, %broadcast_in_dim3A_232 : vector<16xi1>, vector<16xf32>
        %broadcast_in_dim3A_234 = arith.constant 3 : i32
        %broadcast_in_dim3A_235 = vector.broadcast %broadcast_in_dim3A_234 : i32 to vector<16xi32>
        %gather3A_236 = tpu.vector_load_idx %arg9[%broadcast_in_dim3A_235, %min3A_173] : memref<16x16xf32, #tpu.memory_space<vmem>>[vector<16xi32>, vector<16xi32>], vector<16xf32>,
        %bitcast_convert_type3A_237 = tpu.bitcast %gather3A_236 : vector<16xf32> -> vector<16xi32>
        %lt3A_238 = arith.constant 3 : i32
        %lt3A_239 = vector.broadcast %lt3A_238 : i32 to vector<16xi32>
        %lt3A_240 = arith.cmpi slt, %iota3A, %lt3A_239 : vector<16xi32>
        %broadcast_in_dim3A_241 = vector.broadcast %cond3A_166 : i32 to vector<16xi32>
        %select_n3A_242 = arith.select %lt3A_240, %bitcast_convert_type3A_237, %broadcast_in_dim3A_241 : vector<16xi1>, vector<16xi32>
        %get3A_243 = arith.constant 4 : i32
        %get3A_244 = arith.index_cast %get3A_243 : i32 to index
        %get3A_245 = arith.constant 0 : index
        %get3A_246 = tpu.vector_load %arg9[%get3A_244, %get3A_245] {strides = array<i32>} : memref<16x16xf32, #tpu.memory_space<vmem>>, vector<16xf32>,
        %lt3A_247 = arith.constant 3 : i32
        %lt3A_248 = vector.broadcast %lt3A_247 : i32 to vector<16xi32>
        %lt3A_249 = arith.cmpi slt, %iota3A, %lt3A_248 : vector<16xi32>
        %broadcast_in_dim3A_250 = vector.broadcast %cond3A_165 : f32 to vector<16xf32>
        %select_n3A_251 = arith.select %lt3A_249, %get3A_246, %broadcast_in_dim3A_250 : vector<16xi1>, vector<16xf32>
        %broadcast_in_dim3A_252 = arith.constant 4 : i32
        %broadcast_in_dim3A_253 = vector.broadcast %broadcast_in_dim3A_252 : i32 to vector<16xi32>
        %gather3A_254 = tpu.vector_load_idx %arg9[%broadcast_in_dim3A_253, %min3A_173] : memref<16x16xf32, #tpu.memory_space<vmem>>[vector<16xi32>, vector<16xi32>], vector<16xf32>,
        %bitcast_convert_type3A_255 = tpu.bitcast %gather3A_254 : vector<16xf32> -> vector<16xi32>
        %lt3A_256 = arith.constant 3 : i32
        %lt3A_257 = vector.broadcast %lt3A_256 : i32 to vector<16xi32>
        %lt3A_258 = arith.cmpi slt, %iota3A, %lt3A_257 : vector<16xi32>
        %broadcast_in_dim3A_259 = vector.broadcast %cond3A_166 : i32 to vector<16xi32>
        %select_n3A_260 = arith.select %lt3A_258, %bitcast_convert_type3A_255, %broadcast_in_dim3A_259 : vector<16xi1>, vector<16xi32>
        %get3A_261 = arith.constant 5 : i32
        %get3A_262 = arith.index_cast %get3A_261 : i32 to index
        %get3A_263 = arith.constant 0 : index
        %get3A_264 = tpu.vector_load %arg9[%get3A_262, %get3A_263] {strides = array<i32>} : memref<16x16xf32, #tpu.memory_space<vmem>>, vector<16xf32>,
        %lt3A_265 = arith.constant 3 : i32
        %lt3A_266 = vector.broadcast %lt3A_265 : i32 to vector<16xi32>
        %lt3A_267 = arith.cmpi slt, %iota3A, %lt3A_266 : vector<16xi32>
        %broadcast_in_dim3A_268 = vector.broadcast %cond3A_165 : f32 to vector<16xf32>
        %select_n3A_269 = arith.select %lt3A_267, %get3A_264, %broadcast_in_dim3A_268 : vector<16xi1>, vector<16xf32>
        %broadcast_in_dim3A_270 = arith.constant 5 : i32
        %broadcast_in_dim3A_271 = vector.broadcast %broadcast_in_dim3A_270 : i32 to vector<16xi32>
        %gather3A_272 = tpu.vector_load_idx %arg9[%broadcast_in_dim3A_271, %min3A_173] : memref<16x16xf32, #tpu.memory_space<vmem>>[vector<16xi32>, vector<16xi32>], vector<16xf32>,
        %bitcast_convert_type3A_273 = tpu.bitcast %gather3A_272 : vector<16xf32> -> vector<16xi32>
        %lt3A_274 = arith.constant 3 : i32
        %lt3A_275 = vector.broadcast %lt3A_274 : i32 to vector<16xi32>
        %lt3A_276 = arith.cmpi slt, %iota3A, %lt3A_275 : vector<16xi32>
        %broadcast_in_dim3A_277 = vector.broadcast %cond3A_166 : i32 to vector<16xi32>
        %select_n3A_278 = arith.select %lt3A_276, %bitcast_convert_type3A_273, %broadcast_in_dim3A_277 : vector<16xi1>, vector<16xi32>
        %get3A_279 = arith.constant 6 : i32
        %get3A_280 = arith.index_cast %get3A_279 : i32 to index
        %get3A_281 = arith.constant 0 : index
        %get3A_282 = tpu.vector_load %arg9[%get3A_280, %get3A_281] {strides = array<i32>} : memref<16x16xf32, #tpu.memory_space<vmem>>, vector<16xf32>,
        %lt3A_283 = arith.constant 3 : i32
        %lt3A_284 = vector.broadcast %lt3A_283 : i32 to vector<16xi32>
        %lt3A_285 = arith.cmpi slt, %iota3A, %lt3A_284 : vector<16xi32>
        %broadcast_in_dim3A_286 = vector.broadcast %cond3A_165 : f32 to vector<16xf32>
        %select_n3A_287 = arith.select %lt3A_285, %get3A_282, %broadcast_in_dim3A_286 : vector<16xi1>, vector<16xf32>
        %broadcast_in_dim3A_288 = arith.constant 6 : i32
        %broadcast_in_dim3A_289 = vector.broadcast %broadcast_in_dim3A_288 : i32 to vector<16xi32>
        %gather3A_290 = tpu.vector_load_idx %arg9[%broadcast_in_dim3A_289, %min3A_173] : memref<16x16xf32, #tpu.memory_space<vmem>>[vector<16xi32>, vector<16xi32>], vector<16xf32>,
        %bitcast_convert_type3A_291 = tpu.bitcast %gather3A_290 : vector<16xf32> -> vector<16xi32>
        %lt3A_292 = arith.constant 3 : i32
        %lt3A_293 = vector.broadcast %lt3A_292 : i32 to vector<16xi32>
        %lt3A_294 = arith.cmpi slt, %iota3A, %lt3A_293 : vector<16xi32>
        %broadcast_in_dim3A_295 = vector.broadcast %cond3A_166 : i32 to vector<16xi32>
        %select_n3A_296 = arith.select %lt3A_294, %bitcast_convert_type3A_291, %broadcast_in_dim3A_295 : vector<16xi1>, vector<16xi32>
        %get3A_297 = arith.constant 7 : i32
        %get3A_298 = arith.index_cast %get3A_297 : i32 to index
        %get3A_299 = arith.constant 0 : index
        %get3A_300 = tpu.vector_load %arg9[%get3A_298, %get3A_299] {strides = array<i32>} : memref<16x16xf32, #tpu.memory_space<vmem>>, vector<16xf32>,
        %lt3A_301 = arith.constant 3 : i32
        %lt3A_302 = vector.broadcast %lt3A_301 : i32 to vector<16xi32>
        %lt3A_303 = arith.cmpi slt, %iota3A, %lt3A_302 : vector<16xi32>
        %broadcast_in_dim3A_304 = vector.broadcast %cond3A_165 : f32 to vector<16xf32>
        %select_n3A_305 = arith.select %lt3A_303, %get3A_300, %broadcast_in_dim3A_304 : vector<16xi1>, vector<16xf32>
        %broadcast_in_dim3A_306 = arith.constant 7 : i32
        %broadcast_in_dim3A_307 = vector.broadcast %broadcast_in_dim3A_306 : i32 to vector<16xi32>
        %gather3A_308 = tpu.vector_load_idx %arg9[%broadcast_in_dim3A_307, %min3A_173] : memref<16x16xf32, #tpu.memory_space<vmem>>[vector<16xi32>, vector<16xi32>], vector<16xf32>,
        %bitcast_convert_type3A_309 = tpu.bitcast %gather3A_308 : vector<16xf32> -> vector<16xi32>
        %lt3A_310 = arith.constant 3 : i32
        %lt3A_311 = vector.broadcast %lt3A_310 : i32 to vector<16xi32>
        %lt3A_312 = arith.cmpi slt, %iota3A, %lt3A_311 : vector<16xi32>
        %broadcast_in_dim3A_313 = vector.broadcast %cond3A_166 : i32 to vector<16xi32>
        %select_n3A_314 = arith.select %lt3A_312, %bitcast_convert_type3A_309, %broadcast_in_dim3A_313 : vector<16xi1>, vector<16xi32>
        %get3A_315 = arith.constant 8 : i32
        %get3A_316 = arith.index_cast %get3A_315 : i32 to index
        %get3A_317 = arith.constant 0 : index
        %get3A_318 = tpu.vector_load %arg9[%get3A_316, %get3A_317] {strides = array<i32>} : memref<16x16xf32, #tpu.memory_space<vmem>>, vector<16xf32>,
        %lt3A_319 = arith.constant 3 : i32
        %lt3A_320 = vector.broadcast %lt3A_319 : i32 to vector<16xi32>
        %lt3A_321 = arith.cmpi slt, %iota3A, %lt3A_320 : vector<16xi32>
        %broadcast_in_dim3A_322 = vector.broadcast %cond3A_165 : f32 to vector<16xf32>
        %select_n3A_323 = arith.select %lt3A_321, %get3A_318, %broadcast_in_dim3A_322 : vector<16xi1>, vector<16xf32>
        %broadcast_in_dim3A_324 = arith.constant 8 : i32
        %broadcast_in_dim3A_325 = vector.broadcast %broadcast_in_dim3A_324 : i32 to vector<16xi32>
        %gather3A_326 = tpu.vector_load_idx %arg9[%broadcast_in_dim3A_325, %min3A_173] : memref<16x16xf32, #tpu.memory_space<vmem>>[vector<16xi32>, vector<16xi32>], vector<16xf32>,
        %bitcast_convert_type3A_327 = tpu.bitcast %gather3A_326 : vector<16xf32> -> vector<16xi32>
        %lt3A_328 = arith.constant 3 : i32
        %lt3A_329 = vector.broadcast %lt3A_328 : i32 to vector<16xi32>
        %lt3A_330 = arith.cmpi slt, %iota3A, %lt3A_329 : vector<16xi32>
        %broadcast_in_dim3A_331 = vector.broadcast %cond3A_166 : i32 to vector<16xi32>
        %select_n3A_332 = arith.select %lt3A_330, %bitcast_convert_type3A_327, %broadcast_in_dim3A_331 : vector<16xi1>, vector<16xi32>
        %get3A_333 = arith.constant 9 : i32
        %get3A_334 = arith.index_cast %get3A_333 : i32 to index
        %get3A_335 = arith.constant 0 : index
        %get3A_336 = tpu.vector_load %arg9[%get3A_334, %get3A_335] {strides = array<i32>} : memref<16x16xf32, #tpu.memory_space<vmem>>, vector<16xf32>,
        %lt3A_337 = arith.constant 3 : i32
        %lt3A_338 = vector.broadcast %lt3A_337 : i32 to vector<16xi32>
        %lt3A_339 = arith.cmpi slt, %iota3A, %lt3A_338 : vector<16xi32>
        %broadcast_in_dim3A_340 = vector.broadcast %cond3A_165 : f32 to vector<16xf32>
        %select_n3A_341 = arith.select %lt3A_339, %get3A_336, %broadcast_in_dim3A_340 : vector<16xi1>, vector<16xf32>
        %broadcast_in_dim3A_342 = arith.constant 9 : i32
        %broadcast_in_dim3A_343 = vector.broadcast %broadcast_in_dim3A_342 : i32 to vector<16xi32>
        %gather3A_344 = tpu.vector_load_idx %arg9[%broadcast_in_dim3A_343, %min3A_173] : memref<16x16xf32, #tpu.memory_space<vmem>>[vector<16xi32>, vector<16xi32>], vector<16xf32>,
        %bitcast_convert_type3A_345 = tpu.bitcast %gather3A_344 : vector<16xf32> -> vector<16xi32>
        %lt3A_346 = arith.constant 3 : i32
        %lt3A_347 = vector.broadcast %lt3A_346 : i32 to vector<16xi32>
        %lt3A_348 = arith.cmpi slt, %iota3A, %lt3A_347 : vector<16xi32>
        %broadcast_in_dim3A_349 = vector.broadcast %cond3A_166 : i32 to vector<16xi32>
        %select_n3A_350 = arith.select %lt3A_348, %bitcast_convert_type3A_345, %broadcast_in_dim3A_349 : vector<16xi1>, vector<16xi32>
        %get3A_351 = arith.constant 10 : i32
        %get3A_352 = arith.index_cast %get3A_351 : i32 to index
        %get3A_353 = arith.constant 0 : index
        %get3A_354 = tpu.vector_load %arg9[%get3A_352, %get3A_353] {strides = array<i32>} : memref<16x16xf32, #tpu.memory_space<vmem>>, vector<16xf32>,
        %lt3A_355 = arith.constant 3 : i32
        %lt3A_356 = vector.broadcast %lt3A_355 : i32 to vector<16xi32>
        %lt3A_357 = arith.cmpi slt, %iota3A, %lt3A_356 : vector<16xi32>
        %broadcast_in_dim3A_358 = vector.broadcast %cond3A_165 : f32 to vector<16xf32>
        %select_n3A_359 = arith.select %lt3A_357, %get3A_354, %broadcast_in_dim3A_358 : vector<16xi1>, vector<16xf32>
        %broadcast_in_dim3A_360 = arith.constant 10 : i32
        %broadcast_in_dim3A_361 = vector.broadcast %broadcast_in_dim3A_360 : i32 to vector<16xi32>
        %gather3A_362 = tpu.vector_load_idx %arg9[%broadcast_in_dim3A_361, %min3A_173] : memref<16x16xf32, #tpu.memory_space<vmem>>[vector<16xi32>, vector<16xi32>], vector<16xf32>,
        %bitcast_convert_type3A_363 = tpu.bitcast %gather3A_362 : vector<16xf32> -> vector<16xi32>
        %lt3A_364 = arith.constant 3 : i32
        %lt3A_365 = vector.broadcast %lt3A_364 : i32 to vector<16xi32>
        %lt3A_366 = arith.cmpi slt, %iota3A, %lt3A_365 : vector<16xi32>
        %broadcast_in_dim3A_367 = vector.broadcast %cond3A_166 : i32 to vector<16xi32>
        %select_n3A_368 = arith.select %lt3A_366, %bitcast_convert_type3A_363, %broadcast_in_dim3A_367 : vector<16xi1>, vector<16xi32>
        %get3A_369 = arith.constant 11 : i32
        %get3A_370 = arith.index_cast %get3A_369 : i32 to index
        %get3A_371 = arith.constant 0 : index
        %get3A_372 = tpu.vector_load %arg9[%get3A_370, %get3A_371] {strides = array<i32>} : memref<16x16xf32, #tpu.memory_space<vmem>>, vector<16xf32>,
        %lt3A_373 = arith.constant 3 : i32
        %lt3A_374 = vector.broadcast %lt3A_373 : i32 to vector<16xi32>
        %lt3A_375 = arith.cmpi slt, %iota3A, %lt3A_374 : vector<16xi32>
        %broadcast_in_dim3A_376 = vector.broadcast %cond3A_165 : f32 to vector<16xf32>
        %select_n3A_377 = arith.select %lt3A_375, %get3A_372, %broadcast_in_dim3A_376 : vector<16xi1>, vector<16xf32>
        %broadcast_in_dim3A_378 = arith.constant 11 : i32
        %broadcast_in_dim3A_379 = vector.broadcast %broadcast_in_dim3A_378 : i32 to vector<16xi32>
        %gather3A_380 = tpu.vector_load_idx %arg9[%broadcast_in_dim3A_379, %min3A_173] : memref<16x16xf32, #tpu.memory_space<vmem>>[vector<16xi32>, vector<16xi32>], vector<16xf32>,
        %bitcast_convert_type3A_381 = tpu.bitcast %gather3A_380 : vector<16xf32> -> vector<16xi32>
        %lt3A_382 = arith.constant 3 : i32
        %lt3A_383 = vector.broadcast %lt3A_382 : i32 to vector<16xi32>
        %lt3A_384 = arith.cmpi slt, %iota3A, %lt3A_383 : vector<16xi32>
        %broadcast_in_dim3A_385 = vector.broadcast %cond3A_166 : i32 to vector<16xi32>
        %select_n3A_386 = arith.select %lt3A_384, %bitcast_convert_type3A_381, %broadcast_in_dim3A_385 : vector<16xi1>, vector<16xi32>
        %get3A_387 = arith.constant 12 : i32
        %get3A_388 = arith.index_cast %get3A_387 : i32 to index
        %get3A_389 = arith.constant 0 : index
        %get3A_390 = tpu.vector_load %arg9[%get3A_388, %get3A_389] {strides = array<i32>} : memref<16x16xf32, #tpu.memory_space<vmem>>, vector<16xf32>,
        %lt3A_391 = arith.constant 3 : i32
        %lt3A_392 = vector.broadcast %lt3A_391 : i32 to vector<16xi32>
        %lt3A_393 = arith.cmpi slt, %iota3A, %lt3A_392 : vector<16xi32>
        %broadcast_in_dim3A_394 = vector.broadcast %cond3A_165 : f32 to vector<16xf32>
        %select_n3A_395 = arith.select %lt3A_393, %get3A_390, %broadcast_in_dim3A_394 : vector<16xi1>, vector<16xf32>
        %broadcast_in_dim3A_396 = arith.constant 12 : i32
        %broadcast_in_dim3A_397 = vector.broadcast %broadcast_in_dim3A_396 : i32 to vector<16xi32>
        %gather3A_398 = tpu.vector_load_idx %arg9[%broadcast_in_dim3A_397, %min3A_173] : memref<16x16xf32, #tpu.memory_space<vmem>>[vector<16xi32>, vector<16xi32>], vector<16xf32>,
        %bitcast_convert_type3A_399 = tpu.bitcast %gather3A_398 : vector<16xf32> -> vector<16xi32>
        %lt3A_400 = arith.constant 3 : i32
        %lt3A_401 = vector.broadcast %lt3A_400 : i32 to vector<16xi32>
        %lt3A_402 = arith.cmpi slt, %iota3A, %lt3A_401 : vector<16xi32>
        %broadcast_in_dim3A_403 = vector.broadcast %cond3A_166 : i32 to vector<16xi32>
        %select_n3A_404 = arith.select %lt3A_402, %bitcast_convert_type3A_399, %broadcast_in_dim3A_403 : vector<16xi1>, vector<16xi32>
        %get3A_405 = arith.constant 13 : i32
        %get3A_406 = arith.index_cast %get3A_405 : i32 to index
        %get3A_407 = arith.constant 0 : index
        %get3A_408 = tpu.vector_load %arg9[%get3A_406, %get3A_407] {strides = array<i32>} : memref<16x16xf32, #tpu.memory_space<vmem>>, vector<16xf32>,
        %lt3A_409 = arith.constant 3 : i32
        %lt3A_410 = vector.broadcast %lt3A_409 : i32 to vector<16xi32>
        %lt3A_411 = arith.cmpi slt, %iota3A, %lt3A_410 : vector<16xi32>
        %broadcast_in_dim3A_412 = vector.broadcast %cond3A_165 : f32 to vector<16xf32>
        %select_n3A_413 = arith.select %lt3A_411, %get3A_408, %broadcast_in_dim3A_412 : vector<16xi1>, vector<16xf32>
        %broadcast_in_dim3A_414 = arith.constant 13 : i32
        %broadcast_in_dim3A_415 = vector.broadcast %broadcast_in_dim3A_414 : i32 to vector<16xi32>
        %gather3A_416 = tpu.vector_load_idx %arg9[%broadcast_in_dim3A_415, %min3A_173] : memref<16x16xf32, #tpu.memory_space<vmem>>[vector<16xi32>, vector<16xi32>], vector<16xf32>,
        %bitcast_convert_type3A_417 = tpu.bitcast %gather3A_416 : vector<16xf32> -> vector<16xi32>
        %lt3A_418 = arith.constant 3 : i32
        %lt3A_419 = vector.broadcast %lt3A_418 : i32 to vector<16xi32>
        %lt3A_420 = arith.cmpi slt, %iota3A, %lt3A_419 : vector<16xi32>
        %broadcast_in_dim3A_421 = vector.broadcast %cond3A_166 : i32 to vector<16xi32>
        %select_n3A_422 = arith.select %lt3A_420, %bitcast_convert_type3A_417, %broadcast_in_dim3A_421 : vector<16xi1>, vector<16xi32>
        %get3A_423 = arith.constant 14 : i32
        %get3A_424 = arith.index_cast %get3A_423 : i32 to index
        %get3A_425 = arith.constant 0 : index
        %get3A_426 = tpu.vector_load %arg9[%get3A_424, %get3A_425] {strides = array<i32>} : memref<16x16xf32, #tpu.memory_space<vmem>>, vector<16xf32>,
        %lt3A_427 = arith.constant 3 : i32
        %lt3A_428 = vector.broadcast %lt3A_427 : i32 to vector<16xi32>
        %lt3A_429 = arith.cmpi slt, %iota3A, %lt3A_428 : vector<16xi32>
        %broadcast_in_dim3A_430 = vector.broadcast %cond3A_165 : f32 to vector<16xf32>
        %select_n3A_431 = arith.select %lt3A_429, %get3A_426, %broadcast_in_dim3A_430 : vector<16xi1>, vector<16xf32>
        %broadcast_in_dim3A_432 = arith.constant 14 : i32
        %broadcast_in_dim3A_433 = vector.broadcast %broadcast_in_dim3A_432 : i32 to vector<16xi32>
        %gather3A_434 = tpu.vector_load_idx %arg9[%broadcast_in_dim3A_433, %min3A_173] : memref<16x16xf32, #tpu.memory_space<vmem>>[vector<16xi32>, vector<16xi32>], vector<16xf32>,
        %bitcast_convert_type3A_435 = tpu.bitcast %gather3A_434 : vector<16xf32> -> vector<16xi32>
        %lt3A_436 = arith.constant 3 : i32
        %lt3A_437 = vector.broadcast %lt3A_436 : i32 to vector<16xi32>
        %lt3A_438 = arith.cmpi slt, %iota3A, %lt3A_437 : vector<16xi32>
        %broadcast_in_dim3A_439 = vector.broadcast %cond3A_166 : i32 to vector<16xi32>
        %select_n3A_440 = arith.select %lt3A_438, %bitcast_convert_type3A_435, %broadcast_in_dim3A_439 : vector<16xi1>, vector<16xi32>
        %get3A_441 = arith.constant 15 : i32
        %get3A_442 = arith.index_cast %get3A_441 : i32 to index
        %get3A_443 = arith.constant 0 : index
        %get3A_444 = tpu.vector_load %arg9[%get3A_442, %get3A_443] {strides = array<i32>} : memref<16x16xf32, #tpu.memory_space<vmem>>, vector<16xf32>,
        %lt3A_445 = arith.constant 3 : i32
        %lt3A_446 = vector.broadcast %lt3A_445 : i32 to vector<16xi32>
        %lt3A_447 = arith.cmpi slt, %iota3A, %lt3A_446 : vector<16xi32>
        %broadcast_in_dim3A_448 = vector.broadcast %cond3A_165 : f32 to vector<16xf32>
        %select_n3A_449 = arith.select %lt3A_447, %get3A_444, %broadcast_in_dim3A_448 : vector<16xi1>, vector<16xf32>
        %broadcast_in_dim3A_450 = arith.constant 15 : i32
        %broadcast_in_dim3A_451 = vector.broadcast %broadcast_in_dim3A_450 : i32 to vector<16xi32>
        %gather3A_452 = tpu.vector_load_idx %arg9[%broadcast_in_dim3A_451, %min3A_173] : memref<16x16xf32, #tpu.memory_space<vmem>>[vector<16xi32>, vector<16xi32>], vector<16xf32>,
        %bitcast_convert_type3A_453 = tpu.bitcast %gather3A_452 : vector<16xf32> -> vector<16xi32>
        %lt3A_454 = arith.constant 3 : i32
        %lt3A_455 = vector.broadcast %lt3A_454 : i32 to vector<16xi32>
        %lt3A_456 = arith.cmpi slt, %iota3A, %lt3A_455 : vector<16xi32>
        %broadcast_in_dim3A_457 = vector.broadcast %cond3A_166 : i32 to vector<16xi32>
        %select_n3A_458 = arith.select %lt3A_456, %bitcast_convert_type3A_453, %broadcast_in_dim3A_457 : vector<16xi1>, vector<16xi32>
        %lt3A_459 = arith.cmpf olt, %select_n3A_180, %broadcast_in_dim3A_3 : vector<16xf32>
        %select_n3A_460 = arith.select %lt3A_459, %select_n3A_180, %broadcast_in_dim3A_3 : vector<16xi1>, vector<16xf32>
        %select_n3A_461 = arith.select %lt3A_459, %select_n3A_188, %broadcast_in_dim3A_5 : vector<16xi1>, vector<16xi32>
        %lt3A_462 = arith.cmpf olt, %select_n3A_197, %select_n3A_460 : vector<16xf32>
        %select_n3A_463 = arith.select %lt3A_462, %select_n3A_197, %select_n3A_460 : vector<16xi1>, vector<16xf32>
        %select_n3A_464 = arith.select %lt3A_462, %select_n3A_206, %select_n3A_461 : vector<16xi1>, vector<16xi32>
        %lt3A_465 = arith.cmpf olt, %select_n3A_215, %select_n3A_463 : vector<16xf32>
        %select_n3A_466 = arith.select %lt3A_465, %select_n3A_215, %select_n3A_463 : vector<16xi1>, vector<16xf32>
        %select_n3A_467 = arith.select %lt3A_465, %select_n3A_224, %select_n3A_464 : vector<16xi1>, vector<16xi32>
        %lt3A_468 = arith.cmpf olt, %select_n3A_233, %select_n3A_466 : vector<16xf32>
        %select_n3A_469 = arith.select %lt3A_468, %select_n3A_233, %select_n3A_466 : vector<16xi1>, vector<16xf32>
        %select_n3A_470 = arith.select %lt3A_468, %select_n3A_242, %select_n3A_467 : vector<16xi1>, vector<16xi32>
        %lt3A_471 = arith.cmpf olt, %select_n3A_251, %select_n3A_469 : vector<16xf32>
        %select_n3A_472 = arith.select %lt3A_471, %select_n3A_251, %select_n3A_469 : vector<16xi1>, vector<16xf32>
        %select_n3A_473 = arith.select %lt3A_471, %select_n3A_260, %select_n3A_470 : vector<16xi1>, vector<16xi32>
        %lt3A_474 = arith.cmpf olt, %select_n3A_269, %select_n3A_472 : vector<16xf32>
        %select_n3A_475 = arith.select %lt3A_474, %select_n3A_269, %select_n3A_472 : vector<16xi1>, vector<16xf32>
        %select_n3A_476 = arith.select %lt3A_474, %select_n3A_278, %select_n3A_473 : vector<16xi1>, vector<16xi32>
        %lt3A_477 = arith.cmpf olt, %select_n3A_287, %select_n3A_475 : vector<16xf32>
        %select_n3A_478 = arith.select %lt3A_477, %select_n3A_287, %select_n3A_475 : vector<16xi1>, vector<16xf32>
        %select_n3A_479 = arith.select %lt3A_477, %select_n3A_296, %select_n3A_476 : vector<16xi1>, vector<16xi32>
        %lt3A_480 = arith.cmpf olt, %select_n3A_305, %select_n3A_478 : vector<16xf32>
        %select_n3A_481 = arith.select %lt3A_480, %select_n3A_305, %select_n3A_478 : vector<16xi1>, vector<16xf32>
        %select_n3A_482 = arith.select %lt3A_480, %select_n3A_314, %select_n3A_479 : vector<16xi1>, vector<16xi32>
        %lt3A_483 = arith.cmpf olt, %select_n3A_323, %select_n3A_481 : vector<16xf32>
        %select_n3A_484 = arith.select %lt3A_483, %select_n3A_323, %select_n3A_481 : vector<16xi1>, vector<16xf32>
        %select_n3A_485 = arith.select %lt3A_483, %select_n3A_332, %select_n3A_482 : vector<16xi1>, vector<16xi32>
        %lt3A_486 = arith.cmpf olt, %select_n3A_341, %select_n3A_484 : vector<16xf32>
        %select_n3A_487 = arith.select %lt3A_486, %select_n3A_341, %select_n3A_484 : vector<16xi1>, vector<16xf32>
        %select_n3A_488 = arith.select %lt3A_486, %select_n3A_350, %select_n3A_485 : vector<16xi1>, vector<16xi32>
        %lt3A_489 = arith.cmpf olt, %select_n3A_359, %select_n3A_487 : vector<16xf32>
        %select_n3A_490 = arith.select %lt3A_489, %select_n3A_359, %select_n3A_487 : vector<16xi1>, vector<16xf32>
        %select_n3A_491 = arith.select %lt3A_489, %select_n3A_368, %select_n3A_488 : vector<16xi1>, vector<16xi32>
        %lt3A_492 = arith.cmpf olt, %select_n3A_377, %select_n3A_490 : vector<16xf32>
        %select_n3A_493 = arith.select %lt3A_492, %select_n3A_377, %select_n3A_490 : vector<16xi1>, vector<16xf32>
        %select_n3A_494 = arith.select %lt3A_492, %select_n3A_386, %select_n3A_491 : vector<16xi1>, vector<16xi32>
        %lt3A_495 = arith.cmpf olt, %select_n3A_395, %select_n3A_493 : vector<16xf32>
        %select_n3A_496 = arith.select %lt3A_495, %select_n3A_395, %select_n3A_493 : vector<16xi1>, vector<16xf32>
        %select_n3A_497 = arith.select %lt3A_495, %select_n3A_404, %select_n3A_494 : vector<16xi1>, vector<16xi32>
        %lt3A_498 = arith.cmpf olt, %select_n3A_413, %select_n3A_496 : vector<16xf32>
        %select_n3A_499 = arith.select %lt3A_498, %select_n3A_413, %select_n3A_496 : vector<16xi1>, vector<16xf32>
        %select_n3A_500 = arith.select %lt3A_498, %select_n3A_422, %select_n3A_497 : vector<16xi1>, vector<16xi32>
        %lt3A_501 = arith.cmpf olt, %select_n3A_431, %select_n3A_499 : vector<16xf32>
        %select_n3A_502 = arith.select %lt3A_501, %select_n3A_431, %select_n3A_499 : vector<16xi1>, vector<16xf32>
        %select_n3A_503 = arith.select %lt3A_501, %select_n3A_440, %select_n3A_500 : vector<16xi1>, vector<16xi32>
        %lt3A_504 = arith.cmpf olt, %select_n3A_449, %select_n3A_502 : vector<16xf32>
        %select_n3A_505 = arith.select %lt3A_504, %select_n3A_449, %select_n3A_502 : vector<16xi1>, vector<16xf32>
        %select_n3A_506 = arith.select %lt3A_504, %select_n3A_458, %select_n3A_503 : vector<16xi1>, vector<16xi32>
        %reduce_min3A_507 = arith.constant true
        %reduce_min3A_508 = vector.broadcast %reduce_min3A_507 : i1 to vector<16xi1>
        %reduce_min3A_509 = tpu.scan <min>, %select_n3A_505 masked %reduce_min3A_508 : vector<16xf32>, vector<16xi1> -> vector<16xf32>
        %reduce_min3A_510 = vector.extract %reduce_min3A_509[15] : f32 from vector<16xf32>
        %eq3A_511 = vector.broadcast %reduce_min3A_510 : f32 to vector<16xf32>
        %eq3A_512 = arith.cmpf oeq, %select_n3A_505, %eq3A_511 : vector<16xf32>
        %select_n3A_513 = arith.select %eq3A_512, %select_n3A_506, %broadcast_in_dim3A_5 : vector<16xi1>, vector<16xi32>
        %reduce_min3A_514 = arith.constant true
        %reduce_min3A_515 = vector.broadcast %reduce_min3A_514 : i1 to vector<16xi1>
        %reduce_min3A_516 = arith.constant -2147483648 : i32
        %reduce_min3A_517 = vector.broadcast %reduce_min3A_516 : i32 to vector<16xi32>
        %reduce_min3A_518 = arith.xori %select_n3A_513, %reduce_min3A_517 : vector<16xi32>
        %reduce_min3A_519 = tpu.scan <min>, %reduce_min3A_518 masked %reduce_min3A_515 : vector<16xi32>, vector<16xi1> -> vector<16xi32>
        %reduce_min3A_520 = arith.xori %reduce_min3A_519, %reduce_min3A_517 : vector<16xi32>
        %reduce_min3A_521 = vector.extract %reduce_min3A_520[15] : i32 from vector<16xi32>
        %eq3A_522 = vector.broadcast %reduce_min3A_521 : i32 to vector<16xi32>
        %eq3A_523 = arith.cmpi eq, %select_n3A_188, %eq3A_522 : vector<16xi32>
        %broadcast_in_dim3A_524 = vector.broadcast %cond3A_165 : f32 to vector<16xf32>
        %select_n3A_525 = arith.select %eq3A_523, %broadcast_in_dim3A_524, %select_n3A_180 : vector<16xi1>, vector<16xf32>
        %lt3A_526 = arith.cmpf olt, %select_n3A_525, %broadcast_in_dim3A_3 : vector<16xf32>
        %select_n3A_527 = arith.select %lt3A_526, %select_n3A_525, %broadcast_in_dim3A_3 : vector<16xi1>, vector<16xf32>
        %select_n3A_528 = arith.select %lt3A_526, %select_n3A_188, %broadcast_in_dim3A_5 : vector<16xi1>, vector<16xi32>
        %eq3A_529 = vector.broadcast %reduce_min3A_521 : i32 to vector<16xi32>
        %eq3A_530 = arith.cmpi eq, %select_n3A_206, %eq3A_529 : vector<16xi32>
        %broadcast_in_dim3A_531 = vector.broadcast %cond3A_165 : f32 to vector<16xf32>
        %select_n3A_532 = arith.select %eq3A_530, %broadcast_in_dim3A_531, %select_n3A_197 : vector<16xi1>, vector<16xf32>
        %lt3A_533 = arith.cmpf olt, %select_n3A_532, %select_n3A_527 : vector<16xf32>
        %select_n3A_534 = arith.select %lt3A_533, %select_n3A_532, %select_n3A_527 : vector<16xi1>, vector<16xf32>
        %select_n3A_535 = arith.select %lt3A_533, %select_n3A_206, %select_n3A_528 : vector<16xi1>, vector<16xi32>
        %eq3A_536 = vector.broadcast %reduce_min3A_521 : i32 to vector<16xi32>
        %eq3A_537 = arith.cmpi eq, %select_n3A_224, %eq3A_536 : vector<16xi32>
        %broadcast_in_dim3A_538 = vector.broadcast %cond3A_165 : f32 to vector<16xf32>
        %select_n3A_539 = arith.select %eq3A_537, %broadcast_in_dim3A_538, %select_n3A_215 : vector<16xi1>, vector<16xf32>
        %lt3A_540 = arith.cmpf olt, %select_n3A_539, %select_n3A_534 : vector<16xf32>
        %select_n3A_541 = arith.select %lt3A_540, %select_n3A_539, %select_n3A_534 : vector<16xi1>, vector<16xf32>
        %select_n3A_542 = arith.select %lt3A_540, %select_n3A_224, %select_n3A_535 : vector<16xi1>, vector<16xi32>
        %eq3A_543 = vector.broadcast %reduce_min3A_521 : i32 to vector<16xi32>
        %eq3A_544 = arith.cmpi eq, %select_n3A_242, %eq3A_543 : vector<16xi32>
        %broadcast_in_dim3A_545 = vector.broadcast %cond3A_165 : f32 to vector<16xf32>
        %select_n3A_546 = arith.select %eq3A_544, %broadcast_in_dim3A_545, %select_n3A_233 : vector<16xi1>, vector<16xf32>
        %lt3A_547 = arith.cmpf olt, %select_n3A_546, %select_n3A_541 : vector<16xf32>
        %select_n3A_548 = arith.select %lt3A_547, %select_n3A_546, %select_n3A_541 : vector<16xi1>, vector<16xf32>
        %select_n3A_549 = arith.select %lt3A_547, %select_n3A_242, %select_n3A_542 : vector<16xi1>, vector<16xi32>
        %eq3A_550 = vector.broadcast %reduce_min3A_521 : i32 to vector<16xi32>
        %eq3A_551 = arith.cmpi eq, %select_n3A_260, %eq3A_550 : vector<16xi32>
        %broadcast_in_dim3A_552 = vector.broadcast %cond3A_165 : f32 to vector<16xf32>
        %select_n3A_553 = arith.select %eq3A_551, %broadcast_in_dim3A_552, %select_n3A_251 : vector<16xi1>, vector<16xf32>
        %lt3A_554 = arith.cmpf olt, %select_n3A_553, %select_n3A_548 : vector<16xf32>
        %select_n3A_555 = arith.select %lt3A_554, %select_n3A_553, %select_n3A_548 : vector<16xi1>, vector<16xf32>
        %select_n3A_556 = arith.select %lt3A_554, %select_n3A_260, %select_n3A_549 : vector<16xi1>, vector<16xi32>
        %eq3A_557 = vector.broadcast %reduce_min3A_521 : i32 to vector<16xi32>
        %eq3A_558 = arith.cmpi eq, %select_n3A_278, %eq3A_557 : vector<16xi32>
        %broadcast_in_dim3A_559 = vector.broadcast %cond3A_165 : f32 to vector<16xf32>
        %select_n3A_560 = arith.select %eq3A_558, %broadcast_in_dim3A_559, %select_n3A_269 : vector<16xi1>, vector<16xf32>
        %lt3A_561 = arith.cmpf olt, %select_n3A_560, %select_n3A_555 : vector<16xf32>
        %select_n3A_562 = arith.select %lt3A_561, %select_n3A_560, %select_n3A_555 : vector<16xi1>, vector<16xf32>
        %select_n3A_563 = arith.select %lt3A_561, %select_n3A_278, %select_n3A_556 : vector<16xi1>, vector<16xi32>
        %eq3A_564 = vector.broadcast %reduce_min3A_521 : i32 to vector<16xi32>
        %eq3A_565 = arith.cmpi eq, %select_n3A_296, %eq3A_564 : vector<16xi32>
        %broadcast_in_dim3A_566 = vector.broadcast %cond3A_165 : f32 to vector<16xf32>
        %select_n3A_567 = arith.select %eq3A_565, %broadcast_in_dim3A_566, %select_n3A_287 : vector<16xi1>, vector<16xf32>
        %lt3A_568 = arith.cmpf olt, %select_n3A_567, %select_n3A_562 : vector<16xf32>
        %select_n3A_569 = arith.select %lt3A_568, %select_n3A_567, %select_n3A_562 : vector<16xi1>, vector<16xf32>
        %select_n3A_570 = arith.select %lt3A_568, %select_n3A_296, %select_n3A_563 : vector<16xi1>, vector<16xi32>
        %eq3A_571 = vector.broadcast %reduce_min3A_521 : i32 to vector<16xi32>
        %eq3A_572 = arith.cmpi eq, %select_n3A_314, %eq3A_571 : vector<16xi32>
        %broadcast_in_dim3A_573 = vector.broadcast %cond3A_165 : f32 to vector<16xf32>
        %select_n3A_574 = arith.select %eq3A_572, %broadcast_in_dim3A_573, %select_n3A_305 : vector<16xi1>, vector<16xf32>
        %lt3A_575 = arith.cmpf olt, %select_n3A_574, %select_n3A_569 : vector<16xf32>
        %select_n3A_576 = arith.select %lt3A_575, %select_n3A_574, %select_n3A_569 : vector<16xi1>, vector<16xf32>
        %select_n3A_577 = arith.select %lt3A_575, %select_n3A_314, %select_n3A_570 : vector<16xi1>, vector<16xi32>
        %eq3A_578 = vector.broadcast %reduce_min3A_521 : i32 to vector<16xi32>
        %eq3A_579 = arith.cmpi eq, %select_n3A_332, %eq3A_578 : vector<16xi32>
        %broadcast_in_dim3A_580 = vector.broadcast %cond3A_165 : f32 to vector<16xf32>
        %select_n3A_581 = arith.select %eq3A_579, %broadcast_in_dim3A_580, %select_n3A_323 : vector<16xi1>, vector<16xf32>
        %lt3A_582 = arith.cmpf olt, %select_n3A_581, %select_n3A_576 : vector<16xf32>
        %select_n3A_583 = arith.select %lt3A_582, %select_n3A_581, %select_n3A_576 : vector<16xi1>, vector<16xf32>
        %select_n3A_584 = arith.select %lt3A_582, %select_n3A_332, %select_n3A_577 : vector<16xi1>, vector<16xi32>
        %eq3A_585 = vector.broadcast %reduce_min3A_521 : i32 to vector<16xi32>
        %eq3A_586 = arith.cmpi eq, %select_n3A_350, %eq3A_585 : vector<16xi32>
        %broadcast_in_dim3A_587 = vector.broadcast %cond3A_165 : f32 to vector<16xf32>
        %select_n3A_588 = arith.select %eq3A_586, %broadcast_in_dim3A_587, %select_n3A_341 : vector<16xi1>, vector<16xf32>
        %lt3A_589 = arith.cmpf olt, %select_n3A_588, %select_n3A_583 : vector<16xf32>
        %select_n3A_590 = arith.select %lt3A_589, %select_n3A_588, %select_n3A_583 : vector<16xi1>, vector<16xf32>
        %select_n3A_591 = arith.select %lt3A_589, %select_n3A_350, %select_n3A_584 : vector<16xi1>, vector<16xi32>
        %eq3A_592 = vector.broadcast %reduce_min3A_521 : i32 to vector<16xi32>
        %eq3A_593 = arith.cmpi eq, %select_n3A_368, %eq3A_592 : vector<16xi32>
        %broadcast_in_dim3A_594 = vector.broadcast %cond3A_165 : f32 to vector<16xf32>
        %select_n3A_595 = arith.select %eq3A_593, %broadcast_in_dim3A_594, %select_n3A_359 : vector<16xi1>, vector<16xf32>
        %lt3A_596 = arith.cmpf olt, %select_n3A_595, %select_n3A_590 : vector<16xf32>
        %select_n3A_597 = arith.select %lt3A_596, %select_n3A_595, %select_n3A_590 : vector<16xi1>, vector<16xf32>
        %select_n3A_598 = arith.select %lt3A_596, %select_n3A_368, %select_n3A_591 : vector<16xi1>, vector<16xi32>
        %eq3A_599 = vector.broadcast %reduce_min3A_521 : i32 to vector<16xi32>
        %eq3A_600 = arith.cmpi eq, %select_n3A_386, %eq3A_599 : vector<16xi32>
        %broadcast_in_dim3A_601 = vector.broadcast %cond3A_165 : f32 to vector<16xf32>
        %select_n3A_602 = arith.select %eq3A_600, %broadcast_in_dim3A_601, %select_n3A_377 : vector<16xi1>, vector<16xf32>
        %lt3A_603 = arith.cmpf olt, %select_n3A_602, %select_n3A_597 : vector<16xf32>
        %select_n3A_604 = arith.select %lt3A_603, %select_n3A_602, %select_n3A_597 : vector<16xi1>, vector<16xf32>
        %select_n3A_605 = arith.select %lt3A_603, %select_n3A_386, %select_n3A_598 : vector<16xi1>, vector<16xi32>
        %eq3A_606 = vector.broadcast %reduce_min3A_521 : i32 to vector<16xi32>
        %eq3A_607 = arith.cmpi eq, %select_n3A_404, %eq3A_606 : vector<16xi32>
        %broadcast_in_dim3A_608 = vector.broadcast %cond3A_165 : f32 to vector<16xf32>
        %select_n3A_609 = arith.select %eq3A_607, %broadcast_in_dim3A_608, %select_n3A_395 : vector<16xi1>, vector<16xf32>
        %lt3A_610 = arith.cmpf olt, %select_n3A_609, %select_n3A_604 : vector<16xf32>
        %select_n3A_611 = arith.select %lt3A_610, %select_n3A_609, %select_n3A_604 : vector<16xi1>, vector<16xf32>
        %select_n3A_612 = arith.select %lt3A_610, %select_n3A_404, %select_n3A_605 : vector<16xi1>, vector<16xi32>
        %eq3A_613 = vector.broadcast %reduce_min3A_521 : i32 to vector<16xi32>
        %eq3A_614 = arith.cmpi eq, %select_n3A_422, %eq3A_613 : vector<16xi32>
        %broadcast_in_dim3A_615 = vector.broadcast %cond3A_165 : f32 to vector<16xf32>
        %select_n3A_616 = arith.select %eq3A_614, %broadcast_in_dim3A_615, %select_n3A_413 : vector<16xi1>, vector<16xf32>
        %lt3A_617 = arith.cmpf olt, %select_n3A_616, %select_n3A_611 : vector<16xf32>
        %select_n3A_618 = arith.select %lt3A_617, %select_n3A_616, %select_n3A_611 : vector<16xi1>, vector<16xf32>
        %select_n3A_619 = arith.select %lt3A_617, %select_n3A_422, %select_n3A_612 : vector<16xi1>, vector<16xi32>
        %eq3A_620 = vector.broadcast %reduce_min3A_521 : i32 to vector<16xi32>
        %eq3A_621 = arith.cmpi eq, %select_n3A_440, %eq3A_620 : vector<16xi32>
        %broadcast_in_dim3A_622 = vector.broadcast %cond3A_165 : f32 to vector<16xf32>
        %select_n3A_623 = arith.select %eq3A_621, %broadcast_in_dim3A_622, %select_n3A_431 : vector<16xi1>, vector<16xf32>
        %lt3A_624 = arith.cmpf olt, %select_n3A_623, %select_n3A_618 : vector<16xf32>
        %select_n3A_625 = arith.select %lt3A_624, %select_n3A_623, %select_n3A_618 : vector<16xi1>, vector<16xf32>
        %select_n3A_626 = arith.select %lt3A_624, %select_n3A_440, %select_n3A_619 : vector<16xi1>, vector<16xi32>
        %eq3A_627 = vector.broadcast %reduce_min3A_521 : i32 to vector<16xi32>
        %eq3A_628 = arith.cmpi eq, %select_n3A_458, %eq3A_627 : vector<16xi32>
        %broadcast_in_dim3A_629 = vector.broadcast %cond3A_165 : f32 to vector<16xf32>
        %select_n3A_630 = arith.select %eq3A_628, %broadcast_in_dim3A_629, %select_n3A_449 : vector<16xi1>, vector<16xf32>
        %lt3A_631 = arith.cmpf olt, %select_n3A_630, %select_n3A_625 : vector<16xf32>
        %select_n3A_632 = arith.select %lt3A_631, %select_n3A_630, %select_n3A_625 : vector<16xi1>, vector<16xf32>
        %select_n3A_633 = arith.select %lt3A_631, %select_n3A_458, %select_n3A_626 : vector<16xi1>, vector<16xi32>
        %reduce_min3A_634 = arith.constant true
        %reduce_min3A_635 = vector.broadcast %reduce_min3A_634 : i1 to vector<16xi1>
        %reduce_min3A_636 = tpu.scan <min>, %select_n3A_632 masked %reduce_min3A_635 : vector<16xf32>, vector<16xi1> -> vector<16xf32>
        %reduce_min3A_637 = vector.extract %reduce_min3A_636[15] : f32 from vector<16xf32>
        %eq3A_638 = vector.broadcast %reduce_min3A_637 : f32 to vector<16xf32>
        %eq3A_639 = arith.cmpf oeq, %select_n3A_632, %eq3A_638 : vector<16xf32>
        %select_n3A_640 = arith.select %eq3A_639, %select_n3A_633, %broadcast_in_dim3A_5 : vector<16xi1>, vector<16xi32>
        %reduce_min3A_641 = arith.constant true
        %reduce_min3A_642 = vector.broadcast %reduce_min3A_641 : i1 to vector<16xi1>
        %reduce_min3A_643 = arith.constant -2147483648 : i32
        %reduce_min3A_644 = vector.broadcast %reduce_min3A_643 : i32 to vector<16xi32>
        %reduce_min3A_645 = arith.xori %select_n3A_640, %reduce_min3A_644 : vector<16xi32>
        %reduce_min3A_646 = tpu.scan <min>, %reduce_min3A_645 masked %reduce_min3A_642 : vector<16xi32>, vector<16xi1> -> vector<16xi32>
        %reduce_min3A_647 = arith.xori %reduce_min3A_646, %reduce_min3A_644 : vector<16xi32>
        %reduce_min3A_648 = vector.extract %reduce_min3A_647[15] : i32 from vector<16xi32>
        %eq3A_649 = vector.broadcast %reduce_min3A_521 : i32 to vector<16xi32>
        %eq3A_650 = arith.cmpi eq, %select_n3A_188, %eq3A_649 : vector<16xi32>
        %broadcast_in_dim3A_651 = vector.broadcast %cond3A_165 : f32 to vector<16xf32>
        %select_n3A_652 = arith.select %eq3A_650, %broadcast_in_dim3A_651, %select_n3A_180 : vector<16xi1>, vector<16xf32>
        %eq3A_653 = vector.broadcast %reduce_min3A_648 : i32 to vector<16xi32>
        %eq3A_654 = arith.cmpi eq, %select_n3A_188, %eq3A_653 : vector<16xi32>
        %broadcast_in_dim3A_655 = vector.broadcast %cond3A_165 : f32 to vector<16xf32>
        %select_n3A_656 = arith.select %eq3A_654, %broadcast_in_dim3A_655, %select_n3A_652 : vector<16xi1>, vector<16xf32>
        %lt3A_657 = arith.cmpf olt, %select_n3A_656, %broadcast_in_dim3A_3 : vector<16xf32>
        %select_n3A_658 = arith.select %lt3A_657, %select_n3A_656, %broadcast_in_dim3A_3 : vector<16xi1>, vector<16xf32>
        %select_n3A_659 = arith.select %lt3A_657, %select_n3A_188, %broadcast_in_dim3A_5 : vector<16xi1>, vector<16xi32>
        %eq3A_660 = vector.broadcast %reduce_min3A_521 : i32 to vector<16xi32>
        %eq3A_661 = arith.cmpi eq, %select_n3A_206, %eq3A_660 : vector<16xi32>
        %broadcast_in_dim3A_662 = vector.broadcast %cond3A_165 : f32 to vector<16xf32>
        %select_n3A_663 = arith.select %eq3A_661, %broadcast_in_dim3A_662, %select_n3A_197 : vector<16xi1>, vector<16xf32>
        %eq3A_664 = vector.broadcast %reduce_min3A_648 : i32 to vector<16xi32>
        %eq3A_665 = arith.cmpi eq, %select_n3A_206, %eq3A_664 : vector<16xi32>
        %broadcast_in_dim3A_666 = vector.broadcast %cond3A_165 : f32 to vector<16xf32>
        %select_n3A_667 = arith.select %eq3A_665, %broadcast_in_dim3A_666, %select_n3A_663 : vector<16xi1>, vector<16xf32>
        %lt3A_668 = arith.cmpf olt, %select_n3A_667, %select_n3A_658 : vector<16xf32>
        %select_n3A_669 = arith.select %lt3A_668, %select_n3A_667, %select_n3A_658 : vector<16xi1>, vector<16xf32>
        %select_n3A_670 = arith.select %lt3A_668, %select_n3A_206, %select_n3A_659 : vector<16xi1>, vector<16xi32>
        %eq3A_671 = vector.broadcast %reduce_min3A_521 : i32 to vector<16xi32>
        %eq3A_672 = arith.cmpi eq, %select_n3A_224, %eq3A_671 : vector<16xi32>
        %broadcast_in_dim3A_673 = vector.broadcast %cond3A_165 : f32 to vector<16xf32>
        %select_n3A_674 = arith.select %eq3A_672, %broadcast_in_dim3A_673, %select_n3A_215 : vector<16xi1>, vector<16xf32>
        %eq3A_675 = vector.broadcast %reduce_min3A_648 : i32 to vector<16xi32>
        %eq3A_676 = arith.cmpi eq, %select_n3A_224, %eq3A_675 : vector<16xi32>
        %broadcast_in_dim3A_677 = vector.broadcast %cond3A_165 : f32 to vector<16xf32>
        %select_n3A_678 = arith.select %eq3A_676, %broadcast_in_dim3A_677, %select_n3A_674 : vector<16xi1>, vector<16xf32>
        %lt3A_679 = arith.cmpf olt, %select_n3A_678, %select_n3A_669 : vector<16xf32>
        %select_n3A_680 = arith.select %lt3A_679, %select_n3A_678, %select_n3A_669 : vector<16xi1>, vector<16xf32>
        %select_n3A_681 = arith.select %lt3A_679, %select_n3A_224, %select_n3A_670 : vector<16xi1>, vector<16xi32>
        %eq3A_682 = vector.broadcast %reduce_min3A_521 : i32 to vector<16xi32>
        %eq3A_683 = arith.cmpi eq, %select_n3A_242, %eq3A_682 : vector<16xi32>
        %broadcast_in_dim3A_684 = vector.broadcast %cond3A_165 : f32 to vector<16xf32>
        %select_n3A_685 = arith.select %eq3A_683, %broadcast_in_dim3A_684, %select_n3A_233 : vector<16xi1>, vector<16xf32>
        %eq3A_686 = vector.broadcast %reduce_min3A_648 : i32 to vector<16xi32>
        %eq3A_687 = arith.cmpi eq, %select_n3A_242, %eq3A_686 : vector<16xi32>
        %broadcast_in_dim3A_688 = vector.broadcast %cond3A_165 : f32 to vector<16xf32>
        %select_n3A_689 = arith.select %eq3A_687, %broadcast_in_dim3A_688, %select_n3A_685 : vector<16xi1>, vector<16xf32>
        %lt3A_690 = arith.cmpf olt, %select_n3A_689, %select_n3A_680 : vector<16xf32>
        %select_n3A_691 = arith.select %lt3A_690, %select_n3A_689, %select_n3A_680 : vector<16xi1>, vector<16xf32>
        %select_n3A_692 = arith.select %lt3A_690, %select_n3A_242, %select_n3A_681 : vector<16xi1>, vector<16xi32>
        %eq3A_693 = vector.broadcast %reduce_min3A_521 : i32 to vector<16xi32>
        %eq3A_694 = arith.cmpi eq, %select_n3A_260, %eq3A_693 : vector<16xi32>
        %broadcast_in_dim3A_695 = vector.broadcast %cond3A_165 : f32 to vector<16xf32>
        %select_n3A_696 = arith.select %eq3A_694, %broadcast_in_dim3A_695, %select_n3A_251 : vector<16xi1>, vector<16xf32>
        %eq3A_697 = vector.broadcast %reduce_min3A_648 : i32 to vector<16xi32>
        %eq3A_698 = arith.cmpi eq, %select_n3A_260, %eq3A_697 : vector<16xi32>
        %broadcast_in_dim3A_699 = vector.broadcast %cond3A_165 : f32 to vector<16xf32>
        %select_n3A_700 = arith.select %eq3A_698, %broadcast_in_dim3A_699, %select_n3A_696 : vector<16xi1>, vector<16xf32>
        %lt3A_701 = arith.cmpf olt, %select_n3A_700, %select_n3A_691 : vector<16xf32>
        %select_n3A_702 = arith.select %lt3A_701, %select_n3A_700, %select_n3A_691 : vector<16xi1>, vector<16xf32>
        %select_n3A_703 = arith.select %lt3A_701, %select_n3A_260, %select_n3A_692 : vector<16xi1>, vector<16xi32>
        %eq3A_704 = vector.broadcast %reduce_min3A_521 : i32 to vector<16xi32>
        %eq3A_705 = arith.cmpi eq, %select_n3A_278, %eq3A_704 : vector<16xi32>
        %broadcast_in_dim3A_706 = vector.broadcast %cond3A_165 : f32 to vector<16xf32>
        %select_n3A_707 = arith.select %eq3A_705, %broadcast_in_dim3A_706, %select_n3A_269 : vector<16xi1>, vector<16xf32>
        %eq3A_708 = vector.broadcast %reduce_min3A_648 : i32 to vector<16xi32>
        %eq3A_709 = arith.cmpi eq, %select_n3A_278, %eq3A_708 : vector<16xi32>
        %broadcast_in_dim3A_710 = vector.broadcast %cond3A_165 : f32 to vector<16xf32>
        %select_n3A_711 = arith.select %eq3A_709, %broadcast_in_dim3A_710, %select_n3A_707 : vector<16xi1>, vector<16xf32>
        %lt3A_712 = arith.cmpf olt, %select_n3A_711, %select_n3A_702 : vector<16xf32>
        %select_n3A_713 = arith.select %lt3A_712, %select_n3A_711, %select_n3A_702 : vector<16xi1>, vector<16xf32>
        %select_n3A_714 = arith.select %lt3A_712, %select_n3A_278, %select_n3A_703 : vector<16xi1>, vector<16xi32>
        %eq3A_715 = vector.broadcast %reduce_min3A_521 : i32 to vector<16xi32>
        %eq3A_716 = arith.cmpi eq, %select_n3A_296, %eq3A_715 : vector<16xi32>
        %broadcast_in_dim3A_717 = vector.broadcast %cond3A_165 : f32 to vector<16xf32>
        %select_n3A_718 = arith.select %eq3A_716, %broadcast_in_dim3A_717, %select_n3A_287 : vector<16xi1>, vector<16xf32>
        %eq3A_719 = vector.broadcast %reduce_min3A_648 : i32 to vector<16xi32>
        %eq3A_720 = arith.cmpi eq, %select_n3A_296, %eq3A_719 : vector<16xi32>
        %broadcast_in_dim3A_721 = vector.broadcast %cond3A_165 : f32 to vector<16xf32>
        %select_n3A_722 = arith.select %eq3A_720, %broadcast_in_dim3A_721, %select_n3A_718 : vector<16xi1>, vector<16xf32>
        %lt3A_723 = arith.cmpf olt, %select_n3A_722, %select_n3A_713 : vector<16xf32>
        %select_n3A_724 = arith.select %lt3A_723, %select_n3A_722, %select_n3A_713 : vector<16xi1>, vector<16xf32>
        %select_n3A_725 = arith.select %lt3A_723, %select_n3A_296, %select_n3A_714 : vector<16xi1>, vector<16xi32>
        %eq3A_726 = vector.broadcast %reduce_min3A_521 : i32 to vector<16xi32>
        %eq3A_727 = arith.cmpi eq, %select_n3A_314, %eq3A_726 : vector<16xi32>
        %broadcast_in_dim3A_728 = vector.broadcast %cond3A_165 : f32 to vector<16xf32>
        %select_n3A_729 = arith.select %eq3A_727, %broadcast_in_dim3A_728, %select_n3A_305 : vector<16xi1>, vector<16xf32>
        %eq3A_730 = vector.broadcast %reduce_min3A_648 : i32 to vector<16xi32>
        %eq3A_731 = arith.cmpi eq, %select_n3A_314, %eq3A_730 : vector<16xi32>
        %broadcast_in_dim3A_732 = vector.broadcast %cond3A_165 : f32 to vector<16xf32>
        %select_n3A_733 = arith.select %eq3A_731, %broadcast_in_dim3A_732, %select_n3A_729 : vector<16xi1>, vector<16xf32>
        %lt3A_734 = arith.cmpf olt, %select_n3A_733, %select_n3A_724 : vector<16xf32>
        %select_n3A_735 = arith.select %lt3A_734, %select_n3A_733, %select_n3A_724 : vector<16xi1>, vector<16xf32>
        %select_n3A_736 = arith.select %lt3A_734, %select_n3A_314, %select_n3A_725 : vector<16xi1>, vector<16xi32>
        %eq3A_737 = vector.broadcast %reduce_min3A_521 : i32 to vector<16xi32>
        %eq3A_738 = arith.cmpi eq, %select_n3A_332, %eq3A_737 : vector<16xi32>
        %broadcast_in_dim3A_739 = vector.broadcast %cond3A_165 : f32 to vector<16xf32>
        %select_n3A_740 = arith.select %eq3A_738, %broadcast_in_dim3A_739, %select_n3A_323 : vector<16xi1>, vector<16xf32>
        %eq3A_741 = vector.broadcast %reduce_min3A_648 : i32 to vector<16xi32>
        %eq3A_742 = arith.cmpi eq, %select_n3A_332, %eq3A_741 : vector<16xi32>
        %broadcast_in_dim3A_743 = vector.broadcast %cond3A_165 : f32 to vector<16xf32>
        %select_n3A_744 = arith.select %eq3A_742, %broadcast_in_dim3A_743, %select_n3A_740 : vector<16xi1>, vector<16xf32>
        %lt3A_745 = arith.cmpf olt, %select_n3A_744, %select_n3A_735 : vector<16xf32>
        %select_n3A_746 = arith.select %lt3A_745, %select_n3A_744, %select_n3A_735 : vector<16xi1>, vector<16xf32>
        %select_n3A_747 = arith.select %lt3A_745, %select_n3A_332, %select_n3A_736 : vector<16xi1>, vector<16xi32>
        %eq3A_748 = vector.broadcast %reduce_min3A_521 : i32 to vector<16xi32>
        %eq3A_749 = arith.cmpi eq, %select_n3A_350, %eq3A_748 : vector<16xi32>
        %broadcast_in_dim3A_750 = vector.broadcast %cond3A_165 : f32 to vector<16xf32>
        %select_n3A_751 = arith.select %eq3A_749, %broadcast_in_dim3A_750, %select_n3A_341 : vector<16xi1>, vector<16xf32>
        %eq3A_752 = vector.broadcast %reduce_min3A_648 : i32 to vector<16xi32>
        %eq3A_753 = arith.cmpi eq, %select_n3A_350, %eq3A_752 : vector<16xi32>
        %broadcast_in_dim3A_754 = vector.broadcast %cond3A_165 : f32 to vector<16xf32>
        %select_n3A_755 = arith.select %eq3A_753, %broadcast_in_dim3A_754, %select_n3A_751 : vector<16xi1>, vector<16xf32>
        %lt3A_756 = arith.cmpf olt, %select_n3A_755, %select_n3A_746 : vector<16xf32>
        %select_n3A_757 = arith.select %lt3A_756, %select_n3A_755, %select_n3A_746 : vector<16xi1>, vector<16xf32>
        %select_n3A_758 = arith.select %lt3A_756, %select_n3A_350, %select_n3A_747 : vector<16xi1>, vector<16xi32>
        %eq3A_759 = vector.broadcast %reduce_min3A_521 : i32 to vector<16xi32>
        %eq3A_760 = arith.cmpi eq, %select_n3A_368, %eq3A_759 : vector<16xi32>
        %broadcast_in_dim3A_761 = vector.broadcast %cond3A_165 : f32 to vector<16xf32>
        %select_n3A_762 = arith.select %eq3A_760, %broadcast_in_dim3A_761, %select_n3A_359 : vector<16xi1>, vector<16xf32>
        %eq3A_763 = vector.broadcast %reduce_min3A_648 : i32 to vector<16xi32>
        %eq3A_764 = arith.cmpi eq, %select_n3A_368, %eq3A_763 : vector<16xi32>
        %broadcast_in_dim3A_765 = vector.broadcast %cond3A_165 : f32 to vector<16xf32>
        %select_n3A_766 = arith.select %eq3A_764, %broadcast_in_dim3A_765, %select_n3A_762 : vector<16xi1>, vector<16xf32>
        %lt3A_767 = arith.cmpf olt, %select_n3A_766, %select_n3A_757 : vector<16xf32>
        %select_n3A_768 = arith.select %lt3A_767, %select_n3A_766, %select_n3A_757 : vector<16xi1>, vector<16xf32>
        %select_n3A_769 = arith.select %lt3A_767, %select_n3A_368, %select_n3A_758 : vector<16xi1>, vector<16xi32>
        %eq3A_770 = vector.broadcast %reduce_min3A_521 : i32 to vector<16xi32>
        %eq3A_771 = arith.cmpi eq, %select_n3A_386, %eq3A_770 : vector<16xi32>
        %broadcast_in_dim3A_772 = vector.broadcast %cond3A_165 : f32 to vector<16xf32>
        %select_n3A_773 = arith.select %eq3A_771, %broadcast_in_dim3A_772, %select_n3A_377 : vector<16xi1>, vector<16xf32>
        %eq3A_774 = vector.broadcast %reduce_min3A_648 : i32 to vector<16xi32>
        %eq3A_775 = arith.cmpi eq, %select_n3A_386, %eq3A_774 : vector<16xi32>
        %broadcast_in_dim3A_776 = vector.broadcast %cond3A_165 : f32 to vector<16xf32>
        %select_n3A_777 = arith.select %eq3A_775, %broadcast_in_dim3A_776, %select_n3A_773 : vector<16xi1>, vector<16xf32>
        %lt3A_778 = arith.cmpf olt, %select_n3A_777, %select_n3A_768 : vector<16xf32>
        %select_n3A_779 = arith.select %lt3A_778, %select_n3A_777, %select_n3A_768 : vector<16xi1>, vector<16xf32>
        %select_n3A_780 = arith.select %lt3A_778, %select_n3A_386, %select_n3A_769 : vector<16xi1>, vector<16xi32>
        %eq3A_781 = vector.broadcast %reduce_min3A_521 : i32 to vector<16xi32>
        %eq3A_782 = arith.cmpi eq, %select_n3A_404, %eq3A_781 : vector<16xi32>
        %broadcast_in_dim3A_783 = vector.broadcast %cond3A_165 : f32 to vector<16xf32>
        %select_n3A_784 = arith.select %eq3A_782, %broadcast_in_dim3A_783, %select_n3A_395 : vector<16xi1>, vector<16xf32>
        %eq3A_785 = vector.broadcast %reduce_min3A_648 : i32 to vector<16xi32>
        %eq3A_786 = arith.cmpi eq, %select_n3A_404, %eq3A_785 : vector<16xi32>
        %broadcast_in_dim3A_787 = vector.broadcast %cond3A_165 : f32 to vector<16xf32>
        %select_n3A_788 = arith.select %eq3A_786, %broadcast_in_dim3A_787, %select_n3A_784 : vector<16xi1>, vector<16xf32>
        %lt3A_789 = arith.cmpf olt, %select_n3A_788, %select_n3A_779 : vector<16xf32>
        %select_n3A_790 = arith.select %lt3A_789, %select_n3A_788, %select_n3A_779 : vector<16xi1>, vector<16xf32>
        %select_n3A_791 = arith.select %lt3A_789, %select_n3A_404, %select_n3A_780 : vector<16xi1>, vector<16xi32>
        %eq3A_792 = vector.broadcast %reduce_min3A_521 : i32 to vector<16xi32>
        %eq3A_793 = arith.cmpi eq, %select_n3A_422, %eq3A_792 : vector<16xi32>
        %broadcast_in_dim3A_794 = vector.broadcast %cond3A_165 : f32 to vector<16xf32>
        %select_n3A_795 = arith.select %eq3A_793, %broadcast_in_dim3A_794, %select_n3A_413 : vector<16xi1>, vector<16xf32>
        %eq3A_796 = vector.broadcast %reduce_min3A_648 : i32 to vector<16xi32>
        %eq3A_797 = arith.cmpi eq, %select_n3A_422, %eq3A_796 : vector<16xi32>
        %broadcast_in_dim3A_798 = vector.broadcast %cond3A_165 : f32 to vector<16xf32>
        %select_n3A_799 = arith.select %eq3A_797, %broadcast_in_dim3A_798, %select_n3A_795 : vector<16xi1>, vector<16xf32>
        %lt3A_800 = arith.cmpf olt, %select_n3A_799, %select_n3A_790 : vector<16xf32>
        %select_n3A_801 = arith.select %lt3A_800, %select_n3A_799, %select_n3A_790 : vector<16xi1>, vector<16xf32>
        %select_n3A_802 = arith.select %lt3A_800, %select_n3A_422, %select_n3A_791 : vector<16xi1>, vector<16xi32>
        %eq3A_803 = vector.broadcast %reduce_min3A_521 : i32 to vector<16xi32>
        %eq3A_804 = arith.cmpi eq, %select_n3A_440, %eq3A_803 : vector<16xi32>
        %broadcast_in_dim3A_805 = vector.broadcast %cond3A_165 : f32 to vector<16xf32>
        %select_n3A_806 = arith.select %eq3A_804, %broadcast_in_dim3A_805, %select_n3A_431 : vector<16xi1>, vector<16xf32>
        %eq3A_807 = vector.broadcast %reduce_min3A_648 : i32 to vector<16xi32>
        %eq3A_808 = arith.cmpi eq, %select_n3A_440, %eq3A_807 : vector<16xi32>
        %broadcast_in_dim3A_809 = vector.broadcast %cond3A_165 : f32 to vector<16xf32>
        %select_n3A_810 = arith.select %eq3A_808, %broadcast_in_dim3A_809, %select_n3A_806 : vector<16xi1>, vector<16xf32>
        %lt3A_811 = arith.cmpf olt, %select_n3A_810, %select_n3A_801 : vector<16xf32>
        %select_n3A_812 = arith.select %lt3A_811, %select_n3A_810, %select_n3A_801 : vector<16xi1>, vector<16xf32>
        %select_n3A_813 = arith.select %lt3A_811, %select_n3A_440, %select_n3A_802 : vector<16xi1>, vector<16xi32>
        %eq3A_814 = vector.broadcast %reduce_min3A_521 : i32 to vector<16xi32>
        %eq3A_815 = arith.cmpi eq, %select_n3A_458, %eq3A_814 : vector<16xi32>
        %broadcast_in_dim3A_816 = vector.broadcast %cond3A_165 : f32 to vector<16xf32>
        %select_n3A_817 = arith.select %eq3A_815, %broadcast_in_dim3A_816, %select_n3A_449 : vector<16xi1>, vector<16xf32>
        %eq3A_818 = vector.broadcast %reduce_min3A_648 : i32 to vector<16xi32>
        %eq3A_819 = arith.cmpi eq, %select_n3A_458, %eq3A_818 : vector<16xi32>
        %broadcast_in_dim3A_820 = vector.broadcast %cond3A_165 : f32 to vector<16xf32>
        %select_n3A_821 = arith.select %eq3A_819, %broadcast_in_dim3A_820, %select_n3A_817 : vector<16xi1>, vector<16xf32>
        %lt3A_822 = arith.cmpf olt, %select_n3A_821, %select_n3A_812 : vector<16xf32>
        %select_n3A_823 = arith.select %lt3A_822, %select_n3A_821, %select_n3A_812 : vector<16xi1>, vector<16xf32>
        %select_n3A_824 = arith.select %lt3A_822, %select_n3A_458, %select_n3A_813 : vector<16xi1>, vector<16xi32>
        %reduce_min3A_825 = arith.constant true
        %reduce_min3A_826 = vector.broadcast %reduce_min3A_825 : i1 to vector<16xi1>
        %reduce_min3A_827 = tpu.scan <min>, %select_n3A_823 masked %reduce_min3A_826 : vector<16xf32>, vector<16xi1> -> vector<16xf32>
        %reduce_min3A_828 = vector.extract %reduce_min3A_827[15] : f32 from vector<16xf32>
        %eq3A_829 = vector.broadcast %reduce_min3A_828 : f32 to vector<16xf32>
        %eq3A_830 = arith.cmpf oeq, %select_n3A_823, %eq3A_829 : vector<16xf32>
        %select_n3A_831 = arith.select %eq3A_830, %select_n3A_824, %broadcast_in_dim3A_5 : vector<16xi1>, vector<16xi32>
        %reduce_min3A_832 = arith.constant true
        %reduce_min3A_833 = vector.broadcast %reduce_min3A_832 : i1 to vector<16xi1>
        %reduce_min3A_834 = arith.constant -2147483648 : i32
        %reduce_min3A_835 = vector.broadcast %reduce_min3A_834 : i32 to vector<16xi32>
        %reduce_min3A_836 = arith.xori %select_n3A_831, %reduce_min3A_835 : vector<16xi32>
        %reduce_min3A_837 = tpu.scan <min>, %reduce_min3A_836 masked %reduce_min3A_833 : vector<16xi32>, vector<16xi1> -> vector<16xi32>
        %reduce_min3A_838 = arith.xori %reduce_min3A_837, %reduce_min3A_835 : vector<16xi32>
        %reduce_min3A_839 = vector.extract %reduce_min3A_838[15] : i32 from vector<16xi32>
        %eq3A_840 = arith.constant 0 : i32
        %eq3A_841 = vector.broadcast %eq3A_840 : i32 to vector<16xi32>
        %eq3A_842 = arith.cmpi eq, %iota3A, %eq3A_841 : vector<16xi32>
        %eq3A_843 = arith.constant 1 : i32
        %eq3A_844 = vector.broadcast %eq3A_843 : i32 to vector<16xi32>
        %eq3A_845 = arith.cmpi eq, %iota3A, %eq3A_844 : vector<16xi32>
        %eq3A_846 = arith.constant 2 : i32
        %eq3A_847 = vector.broadcast %eq3A_846 : i32 to vector<16xi32>
        %eq3A_848 = arith.cmpi eq, %iota3A, %eq3A_847 : vector<16xi32>
        %jit3A_849 = arith.constant 1.000000e+00 : f32
        %broadcast_in_dim3A_850 = vector.broadcast %reduce_min3A_828 : f32 to vector<16xf32>
        %broadcast_in_dim3A_851 = vector.broadcast %jit3A_849 : f32 to vector<16xf32>
        %select_n3A_852 = arith.select %eq3A_848, %broadcast_in_dim3A_850, %broadcast_in_dim3A_851 : vector<16xi1>, vector<16xf32>
        %broadcast_in_dim3A_853 = vector.broadcast %reduce_min3A_637 : f32 to vector<16xf32>
        %select_n3A_854 = arith.select %eq3A_845, %broadcast_in_dim3A_853, %select_n3A_852 : vector<16xi1>, vector<16xf32>
        %broadcast_in_dim3A_855 = vector.broadcast %reduce_min3A_510 : f32 to vector<16xf32>
        %select_n3A_856 = arith.select %eq3A_842, %broadcast_in_dim3A_855, %select_n3A_854 : vector<16xi1>, vector<16xf32>
        %bitcast_convert_type3A_857 = tpu.bitcast %select_n3A_856 : vector<16xf32> -> vector<16xi32>
        %shift_right_arithmetic3A = arith.constant 1 : i32
        %shift_right_arithmetic3A_858 = vector.broadcast %shift_right_arithmetic3A : i32 to vector<16xi32>
        %shift_right_arithmetic3A_859 = arith.shrsi %bitcast_convert_type3A_857, %shift_right_arithmetic3A_858 : vector<16xi32>
        %add3A_860 = arith.constant 532487669 : i32
        %add3A_861 = vector.broadcast %add3A_860 : i32 to vector<16xi32>
        %add3A_862 = arith.addi %shift_right_arithmetic3A_859, %add3A_861 : vector<16xi32>
        %bitcast_convert_type3A_863 = tpu.bitcast %add3A_862 : vector<16xi32> -> vector<16xf32>
        %div3A = arith.divf %select_n3A_856, %bitcast_convert_type3A_863 : vector<16xf32>
        %add3A_864 = arith.addf %bitcast_convert_type3A_863, %div3A : vector<16xf32>
        %mul3A_865 = arith.constant 5.000000e-01 : f32
        %mul3A_866 = vector.broadcast %mul3A_865 : f32 to vector<16xf32>
        %mul3A_867 = arith.mulf %mul3A_866, %add3A_864 : vector<16xf32>
        %div3A_868 = arith.divf %select_n3A_856, %mul3A_867 : vector<16xf32>
        %add3A_869 = arith.addf %mul3A_867, %div3A_868 : vector<16xf32>
        %mul3A_870 = arith.constant 5.000000e-01 : f32
        %mul3A_871 = vector.broadcast %mul3A_870 : f32 to vector<16xf32>
        %mul3A_872 = arith.mulf %mul3A_871, %add3A_869 : vector<16xf32>
        %div3A_873 = arith.divf %select_n3A_856, %mul3A_872 : vector<16xf32>
        %add3A_874 = arith.addf %mul3A_872, %div3A_873 : vector<16xf32>
        %mul3A_875 = arith.constant 5.000000e-01 : f32
        %mul3A_876 = vector.broadcast %mul3A_875 : f32 to vector<16xf32>
        %mul3A_877 = arith.mulf %mul3A_876, %add3A_874 : vector<16xf32>
        %div3A_878 = arith.divf %select_n3A_856, %mul3A_877 : vector<16xf32>
        %add3A_879 = arith.addf %mul3A_877, %div3A_878 : vector<16xf32>
        %mul3A_880 = arith.constant 5.000000e-01 : f32
        %mul3A_881 = vector.broadcast %mul3A_880 : f32 to vector<16xf32>
        %mul3A_882 = arith.mulf %mul3A_881, %add3A_879 : vector<16xf32>
        %eq3A_883 = arith.constant 0.000000e+00 : f32
        %eq3A_884 = vector.broadcast %eq3A_883 : f32 to vector<16xf32>
        %eq3A_885 = arith.cmpf oeq, %select_n3A_856, %eq3A_884 : vector<16xf32>
        %jit3A_886 = arith.constant 0.000000e+00 : f32
        %broadcast_in_dim3A_887 = vector.broadcast %jit3A_886 : f32 to vector<16xf32>
        %select_n3A_888 = arith.select %eq3A_885, %broadcast_in_dim3A_887, %mul3A_882 : vector<16xi1>, vector<16xf32>
        %eq3A_889 = arith.constant 0.000000e+00 : f32
        %eq3A_890 = vector.broadcast %eq3A_889 : f32 to vector<16xf32>
        %eq3A_891 = arith.cmpf oeq, %select_n3A_888, %eq3A_890 : vector<16xf32>
        %jit3A_892 = arith.constant 1.000000e+00 : f32
        %broadcast_in_dim3A_893 = vector.broadcast %jit3A_892 : f32 to vector<16xf32>
        %select_n3A_894 = arith.select %eq3A_891, %broadcast_in_dim3A_893, %select_n3A_888 : vector<16xi1>, vector<16xf32>
        %lt3A_895 = arith.constant 3 : i32
        %lt3A_896 = vector.broadcast %lt3A_895 : i32 to vector<16xi32>
        %lt3A_897 = arith.cmpi slt, %iota3A, %lt3A_896 : vector<16xi32>
        %div3A_898 = arith.constant 1.000000e+00 : f32
        %div3A_899 = vector.broadcast %div3A_898 : f32 to vector<16xf32>
        %div3A_900 = arith.divf %div3A_899, %select_n3A_894 : vector<16xf32>
        %jit3A_901 = arith.constant 0.000000e+00 : f32
        %broadcast_in_dim3A_902 = vector.broadcast %jit3A_901 : f32 to vector<16xf32>
        %select_n3A_903 = arith.select %lt3A_897, %div3A_900, %broadcast_in_dim3A_902 : vector<16xi1>, vector<16xf32>
        %reduce_sum3A = arith.constant true
        %reduce_sum3A_904 = vector.broadcast %reduce_sum3A : i1 to vector<16xi1>
        %reduce_sum3A_905 = tpu.scan <sum>, %select_n3A_903 masked %reduce_sum3A_904 : vector<16xf32>, vector<16xi1> -> vector<16xf32>
        %reduce_sum3A_906 = vector.extract %reduce_sum3A_905[15] : f32 from vector<16xf32>
        %div3A_907 = vector.broadcast %reduce_sum3A_906 : f32 to vector<16xf32>
        %div3A_908 = arith.divf %select_n3A_903, %div3A_907 : vector<16xf32>
        %eq3A_909 = arith.constant 0.000000e+00 : f32
        %eq3A_910 = arith.cmpf oeq, %reduce_min3A_510, %eq3A_909 : f32
        %eq3A_911 = arith.constant 0 : i32
        %eq3A_912 = vector.broadcast %eq3A_911 : i32 to vector<16xi32>
        %eq3A_913 = arith.cmpi eq, %iota3A, %eq3A_912 : vector<16xi32>
        %jit3A_914 = arith.constant 1.000000e+00 : f32
        %jit3A_915 = arith.constant 0.000000e+00 : f32
        %broadcast_in_dim3A_916 = vector.broadcast %jit3A_914 : f32 to vector<16xf32>
        %broadcast_in_dim3A_917 = vector.broadcast %jit3A_915 : f32 to vector<16xf32>
        %select_n3A_918 = arith.select %eq3A_913, %broadcast_in_dim3A_916, %broadcast_in_dim3A_917 : vector<16xi1>, vector<16xf32>
        %select_n3A_919 = arith.select %eq3A_910, %select_n3A_918, %div3A_908 : vector<16xf32>
        %min3A_920 = arith.constant 9 : i32
        %min3A_921 = vector.broadcast %min3A_920 : i32 to vector<16xi32>
        %min3A_922 = arith.minsi %iota3A, %min3A_921 : vector<16xi32>
        %max3A = arith.constant 0 : i32
        %max3A_923 = arith.maxsi %reduce_min3A_521, %max3A : i32
        %min3A_924 = arith.constant 99999 : i32
        %min3A_925 = arith.minsi %max3A_923, %min3A_924 : i32
        %mul3A_926 = arith.constant 100000 : i32
        %mul3A_927 = vector.broadcast %mul3A_926 : i32 to vector<16xi32>
        %mul3A_928 = arith.muli %min3A_922, %mul3A_927 : vector<16xi32>
        %add3A_929 = vector.broadcast %min3A_925 : i32 to vector<16xi32>
        %add3A_930 = arith.addi %mul3A_928, %add3A_929 : vector<16xi32>
        %dma_start3A = arith.constant 0 : i32
        %dma_start3A_931 = arith.constant 0 : i32
        %dma_start3A_932 = tpu.memref_slice %arg10[%dma_start3A, %dma_start3A_931] : memref<3x16xf32, #tpu.memory_space<vmem>> -> memref<1x16xf32, #tpu.memory_space<vmem>>
        %dma_start3A_933 = tpu.memref_squeeze %dma_start3A_932 : memref<1x16xf32, #tpu.memory_space<vmem>> -> memref<16xf32, #tpu.memory_space<vmem>>
        %dma_start3A_934 = arith.constant 0 : i32
        %dma_start3A_935 = tpu.memref_slice %arg3[%dma_start3A_934] : memref<1000000xf32, #tpu.memory_space<hbm>> -> memref<1000000xf32, #tpu.memory_space<hbm>>
        tpu.enqueue_indirect_dma source(%dma_start3A_935 : memref<1000000xf32, #tpu.memory_space<hbm>>) target(%dma_start3A_933 : memref<16xf32, #tpu.memory_space<vmem>>) offsets(%add3A_930 : vector<16xi32>) semaphore(%arg13 : memref<!tpu.dma_semaphore, #tpu.memory_space<semaphore_mem>>)
        %max3A_936 = arith.constant 0 : i32
        %max3A_937 = arith.maxsi %reduce_min3A_648, %max3A_936 : i32
        %min3A_938 = arith.constant 99999 : i32
        %min3A_939 = arith.minsi %max3A_937, %min3A_938 : i32
        %mul3A_940 = arith.constant 100000 : i32
        %mul3A_941 = vector.broadcast %mul3A_940 : i32 to vector<16xi32>
        %mul3A_942 = arith.muli %min3A_922, %mul3A_941 : vector<16xi32>
        %add3A_943 = vector.broadcast %min3A_939 : i32 to vector<16xi32>
        %add3A_944 = arith.addi %mul3A_942, %add3A_943 : vector<16xi32>
        %dma_start3A_945 = arith.constant 1 : i32
        %dma_start3A_946 = arith.constant 0 : i32
        %dma_start3A_947 = tpu.memref_slice %arg10[%dma_start3A_945, %dma_start3A_946] : memref<3x16xf32, #tpu.memory_space<vmem>> -> memref<1x16xf32, #tpu.memory_space<vmem>>
        %dma_start3A_948 = tpu.memref_squeeze %dma_start3A_947 : memref<1x16xf32, #tpu.memory_space<vmem>> -> memref<16xf32, #tpu.memory_space<vmem>>
        %dma_start3A_949 = arith.constant 0 : i32
        %dma_start3A_950 = tpu.memref_slice %arg3[%dma_start3A_949] : memref<1000000xf32, #tpu.memory_space<hbm>> -> memref<1000000xf32, #tpu.memory_space<hbm>>
        tpu.enqueue_indirect_dma source(%dma_start3A_950 : memref<1000000xf32, #tpu.memory_space<hbm>>) target(%dma_start3A_948 : memref<16xf32, #tpu.memory_space<vmem>>) offsets(%add3A_944 : vector<16xi32>) semaphore(%arg13 : memref<!tpu.dma_semaphore, #tpu.memory_space<semaphore_mem>>)
        %max3A_951 = arith.constant 0 : i32
        %max3A_952 = arith.maxsi %reduce_min3A_839, %max3A_951 : i32
        %min3A_953 = arith.constant 99999 : i32
        %min3A_954 = arith.minsi %max3A_952, %min3A_953 : i32
        %mul3A_955 = arith.constant 100000 : i32
        %mul3A_956 = vector.broadcast %mul3A_955 : i32 to vector<16xi32>
        %mul3A_957 = arith.muli %min3A_922, %mul3A_956 : vector<16xi32>
        %add3A_958 = vector.broadcast %min3A_954 : i32 to vector<16xi32>
        %add3A_959 = arith.addi %mul3A_957, %add3A_958 : vector<16xi32>
        %dma_start3A_960 = arith.constant 2 : i32
        %dma_start3A_961 = arith.constant 0 : i32
        %dma_start3A_962 = tpu.memref_slice %arg10[%dma_start3A_960, %dma_start3A_961] : memref<3x16xf32, #tpu.memory_space<vmem>> -> memref<1x16xf32, #tpu.memory_space<vmem>>
        %dma_start3A_963 = tpu.memref_squeeze %dma_start3A_962 : memref<1x16xf32, #tpu.memory_space<vmem>> -> memref<16xf32, #tpu.memory_space<vmem>>
        %dma_start3A_964 = arith.constant 0 : i32
        %dma_start3A_965 = tpu.memref_slice %arg3[%dma_start3A_964] : memref<1000000xf32, #tpu.memory_space<hbm>> -> memref<1000000xf32, #tpu.memory_space<hbm>>
        tpu.enqueue_indirect_dma source(%dma_start3A_965 : memref<1000000xf32, #tpu.memory_space<hbm>>) target(%dma_start3A_963 : memref<16xf32, #tpu.memory_space<vmem>>) offsets(%add3A_959 : vector<16xi32>) semaphore(%arg13 : memref<!tpu.dma_semaphore, #tpu.memory_space<semaphore_mem>>)
        %dma_wait3A = arith.constant 0 : i32
        %dma_wait3A_966 = arith.constant 0 : i32
        %dma_wait3A_967 = tpu.memref_slice %arg10[%dma_wait3A, %dma_wait3A_966] : memref<3x16xf32, #tpu.memory_space<vmem>> -> memref<1x16xf32, #tpu.memory_space<vmem>>
        %dma_wait3A_968 = tpu.memref_squeeze %dma_wait3A_967 : memref<1x16xf32, #tpu.memory_space<vmem>> -> memref<16xf32, #tpu.memory_space<vmem>>
        %dma_wait3A_969 = arith.constant 0 : i32
        %dma_wait3A_970 = tpu.memref_slice %arg3[%dma_wait3A_969] : memref<1000000xf32, #tpu.memory_space<hbm>> -> memref<1000000xf32, #tpu.memory_space<hbm>>
        tpu.wait_indirect_dma semaphore(%arg13 : memref<!tpu.dma_semaphore, #tpu.memory_space<semaphore_mem>>) src(%dma_wait3A_970 : memref<1000000xf32, #tpu.memory_space<hbm>>) dst(%dma_wait3A_968 : memref<16xf32, #tpu.memory_space<vmem>>)
        %dma_wait3A_971 = arith.constant 1 : i32
        %dma_wait3A_972 = arith.constant 0 : i32
        %dma_wait3A_973 = tpu.memref_slice %arg10[%dma_wait3A_971, %dma_wait3A_972] : memref<3x16xf32, #tpu.memory_space<vmem>> -> memref<1x16xf32, #tpu.memory_space<vmem>>
        %dma_wait3A_974 = tpu.memref_squeeze %dma_wait3A_973 : memref<1x16xf32, #tpu.memory_space<vmem>> -> memref<16xf32, #tpu.memory_space<vmem>>
        %dma_wait3A_975 = arith.constant 0 : i32
        %dma_wait3A_976 = tpu.memref_slice %arg3[%dma_wait3A_975] : memref<1000000xf32, #tpu.memory_space<hbm>> -> memref<1000000xf32, #tpu.memory_space<hbm>>
        tpu.wait_indirect_dma semaphore(%arg13 : memref<!tpu.dma_semaphore, #tpu.memory_space<semaphore_mem>>) src(%dma_wait3A_976 : memref<1000000xf32, #tpu.memory_space<hbm>>) dst(%dma_wait3A_974 : memref<16xf32, #tpu.memory_space<vmem>>)
        %dma_wait3A_977 = arith.constant 2 : i32
        %dma_wait3A_978 = arith.constant 0 : i32
        %dma_wait3A_979 = tpu.memref_slice %arg10[%dma_wait3A_977, %dma_wait3A_978] : memref<3x16xf32, #tpu.memory_space<vmem>> -> memref<1x16xf32, #tpu.memory_space<vmem>>
        %dma_wait3A_980 = tpu.memref_squeeze %dma_wait3A_979 : memref<1x16xf32, #tpu.memory_space<vmem>> -> memref<16xf32, #tpu.memory_space<vmem>>
        %dma_wait3A_981 = arith.constant 0 : i32
        %dma_wait3A_982 = tpu.memref_slice %arg3[%dma_wait3A_981] : memref<1000000xf32, #tpu.memory_space<hbm>> -> memref<1000000xf32, #tpu.memory_space<hbm>>
        tpu.wait_indirect_dma semaphore(%arg13 : memref<!tpu.dma_semaphore, #tpu.memory_space<semaphore_mem>>) src(%dma_wait3A_982 : memref<1000000xf32, #tpu.memory_space<hbm>>) dst(%dma_wait3A_980 : memref<16xf32, #tpu.memory_space<vmem>>)
        %lt3A_983 = arith.constant 10 : i32
        %lt3A_984 = vector.broadcast %lt3A_983 : i32 to vector<16xi32>
        %lt3A_985 = arith.cmpi slt, %iota3A, %lt3A_984 : vector<16xi32>
        %broadcast_in_dim3A_986 = arith.constant 0.000000e+00 : f32
        %broadcast_in_dim3A_987 = vector.broadcast %broadcast_in_dim3A_986 : f32 to vector<16xf32>
        %get3A_988 = arith.constant 0 : i32
        %get3A_989 = arith.index_cast %get3A_988 : i32 to index
        %get3A_990 = arith.constant 0 : index
        %get3A_991 = tpu.vector_load %arg10[%get3A_989, %get3A_990] {strides = array<i32>} : memref<3x16xf32, #tpu.memory_space<vmem>>, vector<16xf32>,
        %jit3A_992 = arith.constant 0.000000e+00 : f32
        %broadcast_in_dim3A_993 = vector.broadcast %jit3A_992 : f32 to vector<16xf32>
        %select_n3A_994 = arith.select %lt3A_985, %get3A_991, %broadcast_in_dim3A_993 : vector<16xi1>, vector<16xf32>
        %eq3A_995 = arith.constant 0 : i32
        %eq3A_996 = vector.broadcast %eq3A_995 : i32 to vector<16xi32>
        %eq3A_997 = arith.cmpi eq, %iota3A, %eq3A_996 : vector<16xi32>
        %jit3A_998 = arith.constant 3.000000e+38 : f32
        %broadcast_in_dim3A_999 = vector.broadcast %jit3A_998 : f32 to vector<16xf32>
        %select_n3A_1000 = arith.select %eq3A_997, %select_n3A_919, %broadcast_in_dim3A_999 : vector<16xi1>, vector<16xf32>
        %reduce_min3A_1001 = arith.constant true
        %reduce_min3A_1002 = vector.broadcast %reduce_min3A_1001 : i1 to vector<16xi1>
        %reduce_min3A_1003 = tpu.scan <min>, %select_n3A_1000 masked %reduce_min3A_1002 : vector<16xf32>, vector<16xi1> -> vector<16xf32>
        %reduce_min3A_1004 = vector.extract %reduce_min3A_1003[15] : f32 from vector<16xf32>
        %mul3A_1005 = vector.broadcast %reduce_min3A_1004 : f32 to vector<16xf32>
        %mul3A_1006 = arith.mulf %mul3A_1005, %select_n3A_994 : vector<16xf32>
        %add3A_1007 = arith.addf %broadcast_in_dim3A_987, %mul3A_1006 : vector<16xf32>
        %get3A_1008 = arith.constant 1 : i32
        %get3A_1009 = arith.index_cast %get3A_1008 : i32 to index
        %get3A_1010 = arith.constant 0 : index
        %get3A_1011 = tpu.vector_load %arg10[%get3A_1009, %get3A_1010] {strides = array<i32>} : memref<3x16xf32, #tpu.memory_space<vmem>>, vector<16xf32>,
        %jit3A_1012 = arith.constant 0.000000e+00 : f32
        %broadcast_in_dim3A_1013 = vector.broadcast %jit3A_1012 : f32 to vector<16xf32>
        %select_n3A_1014 = arith.select %lt3A_985, %get3A_1011, %broadcast_in_dim3A_1013 : vector<16xi1>, vector<16xf32>
        %eq3A_1015 = arith.constant 1 : i32
        %eq3A_1016 = vector.broadcast %eq3A_1015 : i32 to vector<16xi32>
        %eq3A_1017 = arith.cmpi eq, %iota3A, %eq3A_1016 : vector<16xi32>
        %jit3A_1018 = arith.constant 3.000000e+38 : f32
        %broadcast_in_dim3A_1019 = vector.broadcast %jit3A_1018 : f32 to vector<16xf32>
        %select_n3A_1020 = arith.select %eq3A_1017, %select_n3A_919, %broadcast_in_dim3A_1019 : vector<16xi1>, vector<16xf32>
        %reduce_min3A_1021 = arith.constant true
        %reduce_min3A_1022 = vector.broadcast %reduce_min3A_1021 : i1 to vector<16xi1>
        %reduce_min3A_1023 = tpu.scan <min>, %select_n3A_1020 masked %reduce_min3A_1022 : vector<16xf32>, vector<16xi1> -> vector<16xf32>
        %reduce_min3A_1024 = vector.extract %reduce_min3A_1023[15] : f32 from vector<16xf32>
        %mul3A_1025 = vector.broadcast %reduce_min3A_1024 : f32 to vector<16xf32>
        %mul3A_1026 = arith.mulf %mul3A_1025, %select_n3A_1014 : vector<16xf32>
        %add3A_1027 = arith.addf %add3A_1007, %mul3A_1026 : vector<16xf32>
        %get3A_1028 = arith.constant 2 : i32
        %get3A_1029 = arith.index_cast %get3A_1028 : i32 to index
        %get3A_1030 = arith.constant 0 : index
        %get3A_1031 = tpu.vector_load %arg10[%get3A_1029, %get3A_1030] {strides = array<i32>} : memref<3x16xf32, #tpu.memory_space<vmem>>, vector<16xf32>,
        %jit3A_1032 = arith.constant 0.000000e+00 : f32
        %broadcast_in_dim3A_1033 = vector.broadcast %jit3A_1032 : f32 to vector<16xf32>
        %select_n3A_1034 = arith.select %lt3A_985, %get3A_1031, %broadcast_in_dim3A_1033 : vector<16xi1>, vector<16xf32>
        %eq3A_1035 = arith.constant 2 : i32
        %eq3A_1036 = vector.broadcast %eq3A_1035 : i32 to vector<16xi32>
        %eq3A_1037 = arith.cmpi eq, %iota3A, %eq3A_1036 : vector<16xi32>
        %jit3A_1038 = arith.constant 3.000000e+38 : f32
        %broadcast_in_dim3A_1039 = vector.broadcast %jit3A_1038 : f32 to vector<16xf32>
        %select_n3A_1040 = arith.select %eq3A_1037, %select_n3A_919, %broadcast_in_dim3A_1039 : vector<16xi1>, vector<16xf32>
        %reduce_min3A_1041 = arith.constant true
        %reduce_min3A_1042 = vector.broadcast %reduce_min3A_1041 : i1 to vector<16xi1>
        %reduce_min3A_1043 = tpu.scan <min>, %select_n3A_1040 masked %reduce_min3A_1042 : vector<16xf32>, vector<16xi1> -> vector<16xf32>
        %reduce_min3A_1044 = vector.extract %reduce_min3A_1043[15] : f32 from vector<16xf32>
        %mul3A_1045 = vector.broadcast %reduce_min3A_1044 : f32 to vector<16xf32>
        %mul3A_1046 = arith.mulf %mul3A_1045, %select_n3A_1034 : vector<16xf32>
        %add3A_1047 = arith.addf %add3A_1027, %mul3A_1046 : vector<16xf32>
        %lt3A_1048 = arith.constant 3 : i32
        %lt3A_1049 = vector.broadcast %lt3A_1048 : i32 to vector<16xi32>
        %lt3A_1050 = arith.cmpi slt, %iota3A, %lt3A_1049 : vector<16xi32>
        %jit3A_1051 = arith.constant 0.000000e+00 : f32
        %broadcast_in_dim3A_1052 = vector.broadcast %jit3A_1051 : f32 to vector<16xf32>
        %select_n3A_1053 = arith.select %lt3A_1050, %select_n3A_888, %broadcast_in_dim3A_1052 : vector<16xi1>, vector<16xf32>
        %swap3A_1054 = arith.constant 0 : index
        %swap3A_1055 = tpu.vector_load %arg11[%swap3A_1054] {strides = array<i32>} : memref<16xf32, #tpu.memory_space<vmem>>, vector<16xf32>,
        tpu.vector_store %arg11[%swap3A_1054], %select_n3A_1053 {strides = array<i32>} : memref<16xf32, #tpu.memory_space<vmem>>, vector<16xf32>,
        %swap3A_1056 = arith.constant 0 : index
        %swap3A_1057 = tpu.vector_load %arg12[%swap3A_1056] {strides = array<i32>} : memref<16xf32, #tpu.memory_space<vmem>>, vector<16xf32>,
        tpu.vector_store %arg12[%swap3A_1056], %add3A_1047 {strides = array<i32>} : memref<16xf32, #tpu.memory_space<vmem>>, vector<16xf32>,
        "tpu.region"() ({
          %run_scoped3A = tpu.sem_alloc : memref<!tpu.dma_semaphore, #tpu.memory_space<semaphore_mem>>
          tpu.enqueue_dma source(%arg11 : memref<16xf32, #tpu.memory_space<vmem>>) target(%arg4 : memref<16xf32, #tpu.memory_space<hbm>>) target_semaphore(%run_scoped3A : memref<!tpu.dma_semaphore, #tpu.memory_space<semaphore_mem>>)
          tpu.wait_dma2 semaphore(%run_scoped3A : memref<!tpu.dma_semaphore, #tpu.memory_space<semaphore_mem>>) src(%arg11 : memref<16xf32, #tpu.memory_space<vmem>>) dst(%arg4 : memref<16xf32, #tpu.memory_space<hbm>>)
          tpu.yield
        }) : () -> ()
        "tpu.region"() ({
          %run_scoped3A = tpu.sem_alloc : memref<!tpu.dma_semaphore, #tpu.memory_space<semaphore_mem>>
          tpu.enqueue_dma source(%arg12 : memref<16xf32, #tpu.memory_space<vmem>>) target(%arg5 : memref<16xf32, #tpu.memory_space<hbm>>) target_semaphore(%run_scoped3A : memref<!tpu.dma_semaphore, #tpu.memory_space<semaphore_mem>>)
          tpu.wait_dma2 semaphore(%run_scoped3A : memref<!tpu.dma_semaphore, #tpu.memory_space<semaphore_mem>>) src(%arg12 : memref<16xf32, #tpu.memory_space<vmem>>) dst(%arg5 : memref<16xf32, #tpu.memory_space<hbm>>)
          tpu.yield
        }) : () -> ()
      } else {
      }
    } else {
    }
    return
  }
}

module attributes {stable_mosaic.version = 14 : i64} {
  func.func @_dist_body(%arg0: memref<27x1xf32, #tpu.memory_space<vmem>>, %arg1: memref<27x100000xf32, #tpu.memory_space<vmem>>, %arg2: memref<100352xf32, #tpu.memory_space<vmem>>) attributes {dimension_semantics = [], scalar_prefetch = 0 : i64, scratch_operands = 0 : i64, tpu.core_type = #tpu.core_type<tc>} {
    %get3A = arith.constant 0 : index
    %get3A_0 = arith.constant 0 : index
    %get3A_1 = vector.load %arg1[%get3A, %get3A_0] : memref<27x100000xf32, #tpu.memory_space<vmem>>, vector<27x100000xf32>
    %get3A_2 = arith.constant 0 : index
    %get3A_3 = arith.constant 0 : index
    %get3A_4 = vector.load %arg0[%get3A_2, %get3A_3] : memref<27x1xf32, #tpu.memory_space<vmem>>, vector<27x1xf32>
    %abs3A = math.absf %get3A_1 : vector<27x100000xf32>
    %reduce_max3A = arith.constant dense<0xFF800000> : vector<27xf32>
    %reduce_max3A_5 = vector.multi_reduction <maximumf>, %abs3A, %reduce_max3A [1] : vector<27x100000xf32> to vector<27xf32>
    %broadcast_in_dim3A = vector.shape_cast %reduce_max3A_5 : vector<27xf32> to vector<27x1xf32>
    %ne3A = arith.constant 0.000000e+00 : f32
    %ne3A_6 = vector.broadcast %ne3A : f32 to vector<27x1xf32>
    %ne3A_7 = arith.cmpf one, %broadcast_in_dim3A, %ne3A_6 : vector<27x1xf32>
    %div3A = arith.constant 1.000000e+00 : f32
    %div3A_8 = vector.broadcast %div3A : f32 to vector<27x1xf32>
    %div3A_9 = arith.divf %div3A_8, %broadcast_in_dim3A : vector<27x1xf32>
    %jit3A = arith.constant 0.000000e+00 : f32
    %broadcast_in_dim3A_10 = vector.broadcast %jit3A : f32 to vector<27x1xf32>
    %select_n3A = arith.select %ne3A_7, %div3A_9, %broadcast_in_dim3A_10 : vector<27x1xi1>, vector<27x1xf32>
    %mul3A = arith.mulf %get3A_4, %select_n3A : vector<27x1xf32>
    %mul3A_11 = vector.broadcast %select_n3A : vector<27x1xf32> to vector<27x100000xf32>
    %mul3A_12 = arith.mulf %get3A_1, %mul3A_11 : vector<27x100000xf32>
    %sub3A = vector.broadcast %mul3A : vector<27x1xf32> to vector<27x100000xf32>
    %sub3A_13 = arith.subf %mul3A_12, %sub3A : vector<27x100000xf32>
    %mul3A_14 = arith.mulf %sub3A_13, %sub3A_13 : vector<27x100000xf32>
    %reduce_sum3A = arith.constant dense<0.000000e+00> : vector<100000xf32>
    %reduce_sum3A_15 = vector.multi_reduction <add>, %mul3A_14, %reduce_sum3A [0] : vector<27x100000xf32> to vector<100000xf32>
    %broadcast_in_dim3A_16 = vector.shape_cast %reduce_sum3A_15 : vector<100000xf32> to vector<1x100000xf32>
    %broadcast_in_dim3A_17 = arith.constant 3.000000e+38 : f32
    %broadcast_in_dim3A_18 = vector.broadcast %broadcast_in_dim3A_17 : f32 to vector<1x352xf32>
    %concatenate3A = tpu.concatenate %broadcast_in_dim3A_16, %broadcast_in_dim3A_18 in 1 : vector<1x100000xf32>, vector<1x352xf32> -> vector<1x100352xf32>
    %reshape3A = vector.shape_cast %concatenate3A : vector<1x100352xf32> to vector<100352xf32>
    %swap3A = arith.constant 0 : index
    %swap3A_19 = vector.load %arg2[%swap3A] : memref<100352xf32, #tpu.memory_space<vmem>>, vector<100352xf32>
    tpu.vector_store %arg2[%swap3A], %reshape3A {strides = array<i32>} : memref<100352xf32, #tpu.memory_space<vmem>>, vector<100352xf32>,
    return
  }
}

</mosaic_0001>

<sc_bundles>
// kernel: kernel.4.cloned.1.call-start
scs
__scs_entry_jumppad:
0x0: {  	(pc) =	sbr.rel $0x88, $3  }
0x1: {  	(tag) =	ssettag $0x0;
	lr =	simm.s32 $0x1  }
0x2: {  	[smem:$0x3F9E] =	sst lr;
	_ =	strace $0xD0000000  }
0x3: {  	_ = 	snop  }
0x4: {  	_ = 	snop  }
0x5: {  	_ = 	snop  }
0x6: {  	_ = 	snop  }
0x7: {  	_ = 	snop  }
__scs_overlays_trampoline_lowered:
0x8: {  	[smem:$0x3FAD] =	sst s0  }
0x9: {  	[smem:$0x3FAE] =	sst s1  }
0xa: {  	[smem:$0x3FAF] =	sst s2  }
0xb: {  	[smem:$0x3FB0] =	sst s3  }
0xc: {  	[smem:$0x3FB1] =	sst s4  }
0xd: {  	[smem:$0x3FB2] =	sst s5  }
0xe: {  	[smem:$0x3FB3] =	sst s6  }
0xf: {  	[smem:$0x3FB4] =	sst s7  }
0x10: {  	[smem:$0x3FB5] =	sst s8  }
0x11: {  	[smem:$0x3FB6] =	sst s9;
	s0 =	simm.s32 @!p0 $0x0  }
0x12: {  	s1 =	sld [smem:$0x3F9C];
	s0 =	simm.s32 @p0 $0x1  }
0x13: {  	[smem:$0x3FB7] =	sst s0;
	s0 =	simm.s32 @!p1 $0x0  }
0x14: {  	s2 =	sld [smem:$0x3F9B];
	s0 =	simm.s32 @p1 $0x1  }
0x15: {  	[smem:$0x3FB8] =	sst s0;
	s0 =	simm.s32 @!p2 $0x0  }
0x16: {  	s3 =	sld [smem:$0x3FDB];
	s0 =	simm.s32 @p2 $0x1  }
0x17: {  	s4 =	simm.s32 $0x1BF5;
	[smem:$0x3FBA] =	sst s0  }
0x18: {  	s0 =	sld [smem:$0x3F9D];
	_ =	swait.ge [sflag:s4], $0x0  }
0x19: {  	s7 =	sld [smem:$0x3F9E]  }
0x1a: {  	s8 =	sadd.s32 $0xFFFFE003, lr  }
0x1b: {  	s9 =	sadd.s32 $0xFFFFFEF7, lr;
	s5 =	simm.s32 $0xFFFFFFFF;
	p2 =	slt.u32 s8, $0xFFFFF086  }
0x1c: {  	p1 =	slt.u32 s9, $0xF7A;
	s5 =	simm.s32 @!p2 $0x0  }
0x1d: {  	s5 =	simm.s32 @p1 $0x1;
	p0 =	seq.s32 s7, s2  }
0x1e: {  	s7 =	smul.u32 @!p0 $0xF7A, s2;
	p2 =	seq.s32 @!p0 s5, $0x0  }
0x1f: {  	s9 =	smul.u32 $0xF7A, s1;
	s8 =	simm.s32 @!p0 $0x1BF5;
	p2 =	por !p2, p0  }
0x20: {  	[sflag:s8] =	ssyncset.s32 @!p0 $0xFFFFF086;
	s6 =	sadd.s32 @!p0 s3, s7;
	s7 =	simm.s32 @!p0 $0x108  }
0x21: {  	s3 =	sadd.s32 s3, s9;
	s6 =	sadd.s32 @!p0 $0x88, s6;
	s7 =	simm.s32 @p2 $0x1082  }
0x22: {  	[simem:s7], [sflag:s8] =	dma.local @!p0 [hbm:s6], $0xF7A  }
0x23: {  	s9 =	sor.u32 $0xD0000000, s2;
	s6 =	simm.s32 $0x108;
	_ =	swait.ge @!p0 [sflag:s8], $0x0  }
0x24: {  	s3 =	sadd.s32 $0x88, s3;
	s6 =	simm.s32 @!p1 $0x1082;
	[sflag:s4] =	ssyncset.s32 $0xFFFFF086  }
0x25: {  	[simem:s6], [sflag:s4] =	dma.local [hbm:s3], $0xF7A  }
0x26: {  	[smem:$0x3F9E] =	sst s1;
	(tag) =	ssettag s2;
	_ =	strace s9  }
0x27: {  	s1 =	sld [smem:$0x3FAE]  }
0x28: {  	s2 =	sld [smem:$0x3FAF]  }
0x29: {  	s4 =	sld [smem:$0x3FB1]  }
0x2a: {  	p0 =	seq.s32 s5, $0x0;
	s5 =	sld [smem:$0x3FB2]  }
0x2b: {  	s6 =	sld [smem:$0x3FB3]  }
0x2c: {  	s7 =	sld [smem:$0x3FB4]  }
0x2d: {  	s3 =	simm.s32 $0x108;
	s8 =	sld [smem:$0x3FB5]  }
0x2e: {  	s3 =	simm.s32 @!p0 $0x1082;
	s9 =	sld [smem:$0x3FB6]  }
0x2f: {  	lr =	sadd.s32 s0, s3;
	s0 =	sld [smem:$0x3FAD]  }
0x30: {  	s3 =	sld [smem:$0x3FB0]  }
0x31: {  	[smem:$0x3FB9] =	sst s10  }
0x32: {  	s10 =	sld [smem:$0x3FB7];
	_ =	sdelay $0x3  }
0x33: {  	p0 =	seq.s32 s10, $0x1;
	s10 =	sld [smem:$0x3FB9];
	_ =	sdelay $0x3  }
0x34: {  	[smem:$0x3FB9] =	sst s10  }
0x35: {  	s10 =	sld [smem:$0x3FB8];
	_ =	sdelay $0x3  }
0x36: {  	p1 =	seq.s32 s10, $0x1;
	s10 =	sld [smem:$0x3FB9];
	_ =	sdelay $0x3  }
0x37: {  	[smem:$0x3FB9] =	sst s10  }
0x38: {  	s10 =	sld [smem:$0x3FBA]  }
0x39: {  	_ = 	snop;
	(pc) =	sbr.ind lr, $3  }
0x3a: {  	_ = 	snop  }
0x3b: {  	_ = 	snop  }
0x3c: {  	p2 =	seq.s32 s10, $0x1;
	s10 =	sld [smem:$0x3FB9]  }
0x3d: {  	_ =	shalt  }
0x3e: {  	_ =	shalt  }
0x3f: {  	_ =	shalt  }
0x40: {  	_ =	shalt  }
0x41: {  	_ =	shalt  }
0x42: {  	_ =	shalt  }
0x43: {  	_ =	shalt  }
0x44: {  	_ =	shalt  }
0x45: {  	_ =	shalt  }
0x46: {  	_ =	shalt  }
0x47: {  	_ =	shalt  }
0x48: {  	_ =	shalt  }
0x49: {  	_ =	shalt  }
0x4a: {  	_ =	shalt  }
0x4b: {  	_ =	shalt  }
0x4c: {  	_ =	shalt  }
0x4d: {  	_ =	shalt  }
0x4e: {  	_ =	shalt  }
0x4f: {  	_ =	shalt  }
0x50: {  	_ =	shalt  }
0x51: {  	_ =	shalt  }
0x52: {  	_ =	shalt  }
0x53: {  	_ =	shalt  }
0x54: {  	_ =	shalt  }
0x55: {  	_ =	shalt  }
0x56: {  	_ =	shalt  }
0x57: {  	_ =	shalt  }
0x58: {  	_ =	shalt  }
0x59: {  	_ =	shalt  }
0x5a: {  	_ =	shalt  }
0x5b: {  	_ =	shalt  }
0x5c: {  	_ =	shalt  }
0x5d: {  	_ =	shalt  }
0x5e: {  	_ =	shalt  }
0x5f: {  	_ =	shalt  }
0x60: {  	_ =	shalt  }
0x61: {  	_ =	shalt  }
0x62: {  	_ =	shalt  }
0x63: {  	_ =	shalt  }
0x64: {  	_ =	shalt  }
0x65: {  	_ =	shalt  }
0x66: {  	_ =	shalt  }
0x67: {  	_ =	shalt  }
0x68: {  	_ =	shalt  }
0x69: {  	_ =	shalt  }
0x6a: {  	_ =	shalt  }
0x6b: {  	_ =	shalt  }
0x6c: {  	_ =	shalt  }
0x6d: {  	_ =	shalt  }
0x6e: {  	_ =	shalt  }
0x6f: {  	_ =	shalt  }
0x70: {  	_ =	shalt  }
0x71: {  	_ =	shalt  }
0x72: {  	_ =	shalt  }
0x73: {  	_ =	shalt  }
0x74: {  	_ =	shalt  }
0x75: {  	_ =	shalt  }
0x76: {  	_ =	shalt  }
0x77: {  	_ =	shalt  }
0x78: {  	_ =	shalt  }
0x79: {  	_ =	shalt  }
0x7a: {  	_ =	shalt  }
0x7b: {  	_ =	shalt  }
0x7c: {  	_ =	shalt  }
0x7d: {  	_ =	shalt  }
0x7e: {  	_ =	shalt  }
0x7f: {  	_ =	shalt  }
0x80: {  	_ =	shalt  }
0x81: {  	_ =	shalt  }
0x82: {  	_ =	shalt  }
0x83: {  	_ =	shalt  }
0x84: {  	_ =	shalt  }
0x85: {  	_ =	shalt  }
0x86: {  	_ =	shalt  }
0x87: {  	_ =	shalt  }
.Lfunc_end0:
.L_simem_size_0:
called_computation_lowered:
.L_overlay_start_0:
0x88: {  	s2 =	sld [smem:$0x3FD9]  }
0x89: {  	s3 =	sld [smem:$0x3FFE];
	_ =	sdelay $0x1  }
0x8a: {  	s1 =	srdreg.scid  }
0x8b: {  	s0 =	sand.u32 $0x1, s1  }
0x8c: {  	s14 =	sshll.u32 s0, $0xA;
	s2 =	sadd.s32 s3, s2  }
0x8d: {  	s2 =	sadd.s32 s2, s14  }
0x8e: {  	[smem:$0x3FC5] =	sst s2  }
0x8f: {  	_ = 	snop  }
0x90: {  	s2 =	sld [smem:$0x3FD0];
	_ =	sdelay $0x2  }
0x91: {  	s15 =	simm.s32 $0xA;
	s4 =	simm.s32 $0x10  }
0x92: {  	[smem:s4], [sflag:s15] =	dma.local [hbm:s2], $0x1  }
0x93: {  	_ =	swait.eq [sflag:s15], $0x1  }
0x94: {  	[sflag:s15] =	ssyncset.done $0x0  }
0x95: {  	s16 =	sld [smem:$0x10];
	[sflag:s15] =	ssyncadd.s32 $0xFFFFFFFF  }
0x96: {  	s17 =	sld [smem:$0x11];
	(tm) =	ssettm $0x1  }
0x97: {  	s18 =	sld [smem:$0x3FFB];
	_ =	sdelay $0x3  }
0x98: {  	_ =	strace s18  }
0x99: {  	s4 =	sld [smem:$0x3FFC];
	_ =	sdelay $0x3  }
0x9a: {  	_ =	strace s4  }
0x9b: {  	s4 =	sld [smem:$0x3FFD];
	_ =	sdelay $0x3  }
0x9c: {  	_ =	strace s4  }
0x9d: {  	_ =	strace $0x8FFFFFFF  }
0x9e: {  	s19 =	sld [smem:$0x3FDB];
	_ =	sdelay $0x1  }
0x9f: {  	s5 =	simm.s32 $_scs_section_size  }
0xa0: {  	s6 =	simm.s32 $_size__tile_overlayer_lowered;
	s7 =	simm.s32 $_tile_overlayer_lowered  }
0xa1: {  	s22 =	simm.s32 $0x1BFF;
	s21 =	sshll.u32 s7, $0x1;
	s4 =	sadd.s32 s5, s19  }
0xa2: {  	s8 =	simm.s32 $0x0;
	s20 =	sshll.u32 s6, $0x1;
	s6 =	sadd.s32 s21, s4  }
0xa3: {  	[timem:s8], [sflag:s22] =	dma.local [hbm:s6], s20  }
0xa4: {  	_ =	swait.ge [sflag:s22], s20  }
0xa5: {  	s5 =	ssub.s32 $0x0, s20;
	[sflag:s22] =	ssyncset.done $0x0  }
0xa6: {  	[sflag:s22] =	ssyncadd.s32 s5;
	_ =	sdelay $0x1  }
0xa7: {  	s23 =	simm.s32 $0x1B8B  }
0xa8: {  	_ =	swait.ge [sflag:s23], $0x1  }
0xa9: {  	[sflag:s23] =	ssyncset.done $0x0  }
0xaa: {  	s25 =	simm.s32 $0x1B8E;
	s24 =	sld [smem:$0x3FFE];
	[sflag:s23] =	ssyncadd.s32 $0xFFFFFFFF  }
0xab: {  	s26 =	simm.s32 $execute0_lowered;
	[smem:$0x3FD2] =	sst s25  }
0xac: {  	s6 =	sshll.u32 s26, $0x1;
	_ =	strace $0x80000046;
	[dreg:$0x1] =	wrdreg $0xFFFFFFFF  }
0xad: {  	s28 =	simm.s32 $_size_execute0_lowered;
	s4 =	sadd.s32 s4, s6;
	[dreg:$0x0] =	wrdreg $0x0  }
0xae: {  	s6 =	sshll.u32 s28, $0x1;
	[dreg:$0x2] =	wrdreg s4  }
0xaf: {  	[dreg:$0x3] =	wrdreg s6  }
0xb0: {  	[dreg:$0x4] =	wrdreg $0xC0  }
0xb1: {  	_ =	task [dreg:s8], $0x5FFFF  }
0xb2: {  	[dreg:$0x1] =	wrdreg $0xFFFFFFFF  }
0xb3: {  	[dreg:$0x0] =	wrdreg $0x60  }
0xb4: {  	[dreg:$0x2] =	wrdreg s24  }
0xb5: {  	[dreg:$0x3] =	wrdreg s16  }
0xb6: {  	[dreg:$0x4] =	wrdreg s17  }
0xb7: {  	[dreg:$0x5] =	wrdreg $0x9  }
0xb8: {  	_ =	task.clear_ibuf [dreg:s8], $0x6FFFF;
	_ =	strace $0x90000046  }
0xb9: {  	s29 =	simm.s32 $0x9;
	_ =	strace $0x80000048  }
0xba: {  	_ =	swait.ge [sflag:s29], $0x1  }
0xbb: {  	[sflag:s29] =	ssyncadd.s32 $0xFFFFFFFF  }
0xbc: {  	_ =	strace $0x90000048  }
0xbd: {  	_ =	sfence  }
0xbe: {  	s30 =	sld [smem:$0x0];
	_ =	sdelay $0x2  }
0xbf: {  	s31 =	sshll.u32 s1, $0xD;
	s1 =	sshrl.u32 s1, $0x2  }
0xc0: {  	s3 =	sand.u32 $0x4000, s31;
	s1 =	sadd.s32 s1, s30  }
0xc1: {  	s0 =	sor.u32 s3, s0;
	s1 =	sshll.u32 s1, $0x11  }
0xc2: {  	s0 =	sor.u32 s1, s0  }
0xc3: {  	s0 =	sadd.s32 $0x8F2B, s0  }
0xc4: {  	[sflag:s0] =	ssyncadd.remote.s32 $0x1  }
0xc5: {  	_ =	sfence.sel $0xFFFF  }
0xc6: {  	[dreg:$0x0] =	wrdreg $0xFFFFFFFF;
	(pc) =	sbr.abs _section_cstart, $3  }
0xc7: {  	[dreg:$0x1] =	wrdreg $0xFFFFFFFF  }
0xc8: {  	_ =	task.clear_ibuf [dreg:s8], $0x2FFFF;
	_ =	strace $0x9FFFFFFF  }
0xc9: {  	(tm) =	ssettm $0x7FFFFFFF  }
tec
execute0_lowered:
.L_overlay_start_1:
0x0: {  	(tag) =	ssettag $0x1  }
0x1: {  	s2 =	srdreg.scid  }
0x2: {  	s2 =	sand.u32 $0x1, s2  }
0x3: {  	p0 =	seq.s32 s2, $0x1  }
.Ltmp0:
0x4: {  	s4 =	rddreg [dreg:$0x0];
	(pc) =	sbr.rel @p0 .LBB2_5-.Ltmp0, $4  }
0x5: {  	s3 =	rddreg [dreg:$0x1]  }
0x6: {  	s1 =	rddreg [dreg:$0x2];
	s6 =	simm.s32 $0x0  }
0x7: {  	[smem:$0x7FF] =	sst s6  }
0x8: {  	s0 =	rddreg [dreg:$0x3];
	_ =	strace $0x80000047;
	s2 =	stileid.u32  }
0x9: {  	s5 =	smul.u32 $0x1880, s2;
	_ =	sdelay $0x1  }
0xa: {  	s7 =	sadd.s32 $0x1F600, s4;
	s8 =	sshrl.u32 s5, $0x3  }
0xb: {  	s22 =	simm.s32 $0x2;
	s7 =	sadd.s32 s7, s8  }
0xc: {  	[tilespmem:s6], [sflag:$0x2] =	stream.linear.gather [hbm4b:s7+s6], $0x1880, $0x38;
	[tilespmem:$0x2400] =	vst v63  }
0xd: {  	_ =	swait.ge [sflag:s22], $0x1880  }
0xe: {  	[sflag:s22] =	ssyncset.done $0x0  }
0xf: {  	s23 =	simm.s32 $0x40;
	[sflag:s22] =	ssyncadd.s32 $0xFFFFE780  }
0x10: {  	v1 =	vld [tilespmem:s23+$0xFFFFFFC0];
	_ =	sdelay $0x2  }
0x11: {  	v2 =	vld [tilespmem:s23+$0xFFFFFFD0]  }
0x12: {  	v3 =	vimm.f32 $3.000000010e+38;
	v0 =	vlaneseq.u32;
	s9 =	sadd.s32 $0x0, s5  }
0x13: {  	v4 =	vimm.s32 $0x7FFFFFFF;
	v5 =	vor.u32 s9, v0;
	s24 =	sadd.s32 $0x30, s9;
	s25 =	sadd.s32 $0x10, s9;
	vm0 =	vlt.f32 v1, v3  }
0x14: {  	s26 =	sadd.s32 $0x20, s9;
	v6 =	vor.u32 s24, v0;
	v7 =	vor.u32 s25, v0;
	v8 =	vld [tilespmem:s23+$0xFFFFFFE0];
	v1 =	vsel vm0, v1, v3  }
0x15: {  	v9 =	vor.u32 s26, v0;
	v5 =	vsel vm0, v5, v4;
	v3 =	vsel vm0, v3, v1  }
0x16: {  	v4 =	vsel vm0, v4, v5;
	vm0 =	vlt.f32 v2, v1;
	vm1 =	vlt.f32 v2, v3  }
0x17: {  	v10 =	vsel vm0, v7, v5;
	v7 =	vsel vm1, v7, v4;
	v11 =	vsel vm1, v2, v3  }
0x18: {  	v12 =	vld [tilespmem:s23+$0xFFFFFFF0];
	v2 =	vsel vm0, v2, v1;
	v1 =	vsel vm0, v1, v11;
	v3 =	vsel vm1, v3, v11  }
0x19: {  	v4 =	vsel vm1, v4, v7;
	vm1 =	vlt.f32 v8, v2;
	v5 =	vsel vm0, v5, v7  }
0x1a: {  	vm2 =	vlt.f32 v8, v3;
	vm3 =	vlt.f32 v8, v1;
	v11 =	vsel vm1, v9, v10  }
0x1b: {  	v14 =	vsel vm1, v8, v2;
	v13 =	vsel vm3, v8, v1;
	v3 =	vsel vm2, v8, v3  }
0x1c: {  	v4 =	vsel vm2, v9, v4;
	v2 =	vsel vm1, v2, v13;
	v1 =	vsel vm3, v1, v3  }
0x1d: {  	v8 =	vld [tilespmem:s23+$0x0];
	v3 =	vsel vm3, v5, v4;
	v5 =	vsel vm3, v9, v5;
	vm0 =	vlt.f32 v12, v2  }
0x1e: {  	vm2 =	vlt.f32 v12, v1;
	v5 =	vsel vm1, v10, v5;
	vm1 =	vlt.f32 v12, v14  }
0x1f: {  	v4 =	vsel vm0, v12, v2;
	v1 =	vsel vm2, v12, v1;
	v3 =	vsel vm2, v6, v3  }
0x20: {  	s28 =	sadd.s32 $0x40, s9;
	v9 =	vsel vm0, v6, v5;
	v10 =	vsel vm1, v12, v14;
	v6 =	vsel vm1, v6, v11  }
0x21: {  	v7 =	vld [tilespmem:s23+$0x10];
	v1 =	vsel vm0, v2, v1;
	v2 =	vor.u32 s28, v0;
	v4 =	vsel vm1, v14, v4  }
0x22: {  	v9 =	vsel vm1, v11, v9;
	v3 =	vsel vm0, v5, v3;
	vm2 =	vlt.f32 v8, v1  }
0x23: {  	vm3 =	vlt.f32 v8, v4;
	v1 =	vsel vm2, v8, v1;
	v3 =	vsel vm2, v2, v3  }
0x24: {  	s29 =	sadd.s32 $0x50, s9;
	vm2 =	vlt.f32 v8, v10;
	v5 =	vsel vm3, v4, v1;
	v1 =	vsel vm3, v8, v4  }
0x25: {  	v4 =	vsel vm3, v2, v9;
	v3 =	vsel vm3, v9, v3;
	v9 =	vor.u32 s29, v0  }
0x26: {  	s30 =	sadd.s32 $0x60, s9;
	v61 =	vld [tilespmem:s23+$0x20];
	v8 =	vsel vm2, v8, v10;
	vm0 =	vlt.f32 v7, v5;
	v62 =	vsel vm2, v10, v1  }
0x27: {  	v1 =	vor.u32 s30, v0;
	v4 =	vsel vm2, v6, v4;
	v6 =	vsel vm2, v2, v6  }
0x28: {  	vm2 =	vlt.f32 v7, v8;
	v3 =	vsel vm0, v9, v3;
	vm1 =	vlt.f32 v7, v62  }
0x29: {  	v2 =	vld [tilespmem:s23+$0x30];
	v5 =	vsel vm0, v7, v5;
	v63 =	vsel vm2, v7, v8;
	v11 =	vsel vm1, v7, v62  }
0x2a: {  	v10 =	vsel vm1, v62, v5;
	v3 =	vsel vm1, v4, v3;
	v4 =	vsel vm1, v9, v4  }
0x2b: {  	v5 =	vsel vm2, v9, v6;
	vm0 =	vlt.f32 v61, v10;
	v11 =	vsel vm2, v8, v11  }
0x2c: {  	s31 =	sshll.u32 s2, $0x4;
	v4 =	vsel vm2, v6, v4;
	vm1 =	vlt.f32 v61, v11;
	v6 =	vsel vm0, v61, v10  }
0x2d: {  	s8 =	sadd.s32 $0x22800, s4;
	s4 =	sadd.s32 $0xC00, s4;
	s11 =	sadd.s32 $0x70, s9;
	vm3 =	vlt.f32 v61, v63;
	v8 =	vsel vm1, v11, v6;
	v6 =	vsel vm1, v61, v11  }
0x2e: {  	s9 =	simm.s32 $0xC0;
	s6 =	sadd.s32 s8, s31;
	s7 =	simm.s32 $0x80;
	v7 =	vsel vm3, v63, v6;
	v6 =	vsel vm3, v61, v63;
	vm2 =	vlt.f32 v2, v8  }
.LBB2_2:
0x2f: {  	v9 =	vld [tilespmem:s9+$0xFFFFFFC0];
	s10 =	sadd.s32 s7, s5;
	p0 =	sne.s32 s7, $0x1800;
	s7 =	sadd.s32 $0x80, s7;
	v10 =	vsel vm1, v1, v4;
	v11 =	vor.u32 s11, v0  }
0x30: {  	v3 =	vsel vm0, v1, v3;
	v12 =	vor.u32 s10, v0;
	s11 =	sadd.s32 $0x30, s10;
	v10 =	vsel vm3, v5, v10  }
0x31: {  	v1 =	vsel vm3, v1, v5;
	v3 =	vsel vm1, v4, v3;
	v13 =	vor.u32 s11, v0  }
0x32: {  	vm0 =	vlt.f32 v2, v6;
	vm3 =	vlt.f32 v2, v7;
	v5 =	vsel vm2, v2, v8;
	s11 =	sadd.s32 $0x10, s10;
	v4 =	vld [tilespmem:s9+$0xFFFFFFD0]  }
0x33: {  	v14 =	vsel vm0, v11, v1;
	v5 =	vsel vm3, v7, v5;
	v8 =	vor.u32 s11, v0  }
0x34: {  	v15 =	vsel vm0, v2, v6;
	v3 =	vsel vm2, v11, v3;
	v11 =	vsel vm3, v11, v10  }
0x35: {  	v3 =	vsel vm3, v10, v3;
	v1 =	vsel vm0, v1, v11;
	vm1 =	vlt.f32 v9, v15  }
0x36: {  	v2 =	vsel vm3, v2, v7;
	vm2 =	vlt.f32 v9, v5;
	v10 =	vsel vm1, v9, v15  }
0x37: {  	s11 =	sadd.s32 $0x20, s10;
	v2 =	vsel vm0, v6, v2;
	v5 =	vsel vm2, v9, v5;
	v3 =	vsel vm2, v12, v3  }
0x38: {  	v7 =	vor.u32 s11, v0;
	vm2 =	vlt.f32 v9, v2;
	v6 =	vsel vm1, v12, v14  }
0x39: {  	v3 =	vsel vm2, v1, v3;
	v9 =	vsel vm2, v9, v2;
	vm0 =	vlt.f32 v4, v10;
	v11 =	vld [tilespmem:s9+$0xFFFFFFE0]  }
0x3a: {  	v2 =	vsel vm2, v2, v5;
	v5 =	vsel vm1, v15, v9;
	v9 =	vsel vm0, v8, v6  }
0x3b: {  	v1 =	vsel vm2, v12, v1;
	vm3 =	vlt.f32 v4, v2;
	vm2 =	vlt.f32 v4, v5  }
0x3c: {  	v3 =	vsel vm3, v8, v3;
	v15 =	vsel vm0, v4, v10;
	v12 =	vsel vm2, v4, v5  }
0x3d: {  	v1 =	vsel vm1, v14, v1;
	v2 =	vsel vm3, v4, v2;
	v4 =	vsel vm0, v10, v12;
	v10 =	vld [tilespmem:s9+$0xFFFFFFF0]  }
0x3e: {  	v2 =	vsel vm2, v5, v2;
	v3 =	vsel vm2, v1, v3;
	vm1 =	vlt.f32 v11, v15  }
0x3f: {  	vm3 =	vlt.f32 v11, v4;
	vm4 =	vlt.f32 v11, v2;
	v5 =	vsel vm1, v7, v9  }
0x40: {  	v3 =	vsel vm4, v7, v3;
	v12 =	vsel vm3, v11, v4;
	v14 =	vsel vm1, v11, v15  }
0x41: {  	v1 =	vsel vm2, v8, v1;
	v2 =	vsel vm4, v11, v2;
	v8 =	vsel vm1, v15, v12;
	v11 =	vld [tilespmem:s9+$0x0]  }
0x42: {  	v1 =	vsel vm0, v6, v1;
	v2 =	vsel vm3, v4, v2;
	vm0 =	vlt.f32 v10, v8  }
0x43: {  	v3 =	vsel vm3, v1, v3;
	vm2 =	vlt.f32 v10, v2;
	v4 =	vsel vm0, v10, v8  }
0x44: {  	s11 =	sadd.s32 $0x40, s10;
	v1 =	vsel vm3, v7, v1;
	v2 =	vsel vm2, v10, v2;
	v3 =	vsel vm2, v13, v3  }
0x45: {  	v6 =	vor.u32 s11, v0;
	v1 =	vsel vm1, v9, v1;
	v2 =	vsel vm0, v8, v2;
	v7 =	vld [tilespmem:s9+$0x10]  }
0x46: {  	vm1 =	vlt.f32 v10, v14;
	v8 =	vsel vm0, v13, v1;
	vm2 =	vlt.f32 v11, v2  }
0x47: {  	v9 =	vsel vm1, v10, v14;
	v4 =	vsel vm1, v14, v4;
	v8 =	vsel vm1, v5, v8  }
0x48: {  	v1 =	vsel vm0, v1, v3;
	vm0 =	vlt.f32 v11, v4;
	v2 =	vsel vm2, v11, v2  }
0x49: {  	v3 =	vsel vm0, v11, v4;
	v2 =	vsel vm0, v4, v2;
	v4 =	vsel vm0, v6, v8  }
0x4a: {  	s11 =	sadd.s32 $0x50, s10;
	v1 =	vsel vm2, v6, v1;
	vm2 =	vlt.f32 v7, v2  }
0x4b: {  	vm3 =	vlt.f32 v11, v9;
	v1 =	vsel vm0, v8, v1;
	v8 =	vor.u32 s11, v0;
	s11 =	sadd.s32 $0x60, s10;
	v10 =	vld [tilespmem:s9+$0x20]  }
0x4c: {  	v3 =	vsel vm3, v9, v3;
	v12 =	vsel vm2, v8, v1;
	v1 =	vor.u32 s11, v0  }
0x4d: {  	v5 =	vsel vm1, v13, v5;
	vm0 =	vlt.f32 v7, v3;
	v2 =	vsel vm2, v7, v2  }
0x4e: {  	v4 =	vsel vm3, v5, v4;
	v5 =	vsel vm3, v6, v5;
	v6 =	vsel vm0, v7, v3  }
0x4f: {  	v9 =	vsel vm3, v11, v9;
	v11 =	vsel vm0, v3, v2;
	v3 =	vsel vm0, v4, v12;
	v2 =	vld [tilespmem:s9+$0x30]  }
.Ltmp1:
0x50: {  	vm1 =	vlt.f32 v7, v9;
	v4 =	vsel vm0, v8, v4;
	vm0 =	vlt.f32 v10, v11;
	(pc) =	sbr.rel @p0 .LBB2_2-.Ltmp1, $4  }
0x51: {  	v6 =	vsel vm1, v9, v6;
	v9 =	vsel vm1, v7, v9;
	v4 =	vsel vm1, v5, v4  }
0x52: {  	v5 =	vsel vm1, v8, v5;
	vm1 =	vlt.f32 v10, v6;
	v7 =	vsel vm0, v10, v11  }
0x53: {  	vm3 =	vlt.f32 v10, v9;
	v8 =	vsel vm1, v6, v7;
	v6 =	vsel vm1, v10, v6  }
0x54: {  	s11 =	sadd.s32 $0x70, s10;
	s9 =	sadd.s32 $0x80, s9;
	v7 =	vsel vm3, v9, v6;
	v6 =	vsel vm3, v10, v9;
	vm2 =	vlt.f32 v2, v8  }
0x55: {  	vm4 =	vlt.f32 v2, v7  }
0x56: {  	vm5 =	vlt.f32 v2, v6;
	v9 =	vsel vm4, v2, v7  }
0x57: {  	v8 =	vsel vm2, v2, v8;
	v41 =	vsel vm5, v2, v6;
	v42 =	vsel vm5, v6, v9  }
0x58: {  	v43 =	vsel vm4, v7, v8;
	v44 =	vmin.f32 v41, v42  }
0x59: {  	v8 =	vmin.f32 v44, v43  }
0x5a: {  	(xrf0) =	vmin.scan.msk.f32 $0xffff, v8;
	_ =	sdelay $0x5  }
0x5b: {  	v45 =	vsel vm1, v1, v4;
	v46, _, _ =	vpop (xrf0)  }
0x5c: {  	v0 =	vor.u32 s11, v0;
	v8 =	vsel vm3, v5, v45;
	v9 =	vbroadcast v46, $0xF  }
0x5d: {  	v47 =	vsel vm3, v1, v5;
	v10 =	vsel vm4, v0, v8  }
0x5e: {  	v10 =	vsel vm5, v47, v10;
	vm3 =	veq.f32 v42, v9  }
0x5f: {  	v48 =	vsel vm0, v1, v3;
	v49 =	vsel vm5, v0, v47;
	v50 =	vnsel vm3, $0x7FFFFFFF, v10  }
0x60: {  	v1 =	vsel vm1, v4, v48;
	vm0 =	vlt.s32 v49, v50  }
0x61: {  	v0 =	vsel vm2, v0, v1;
	vm1 =	veq.f32 v41, v9;
	v51 =	vsel vm0, v49, v50  }
0x62: {  	v0 =	vsel vm4, v8, v0;
	v1 =	vsel vm1, v51, v50  }
0x63: {  	vm0 =	vlt.s32 v1, v0  }
0x64: {  	vm1 =	veq.f32 v43, v9;
	v52 =	vsel vm0, v1, v0  }
0x65: {  	v1 =	vsel vm1, v52, v1  }
0x66: {  	v1 =	vxor.u32 $0x80000000, v1  }
0x67: {  	(xrf0) =	vmin.scan.msk.u32 $0xffff, v1;
	_ =	sdelay $0x5  }
0x68: {  	v1, _, _ =	vpop (xrf0)  }
0x69: {  	(v2sf) =	vpush v1, $0xF;
	_ =	sdelay $0xe  }
0x6a: {  	s5 =	spop (v2sf)  }
0x6b: {  	s5 =	sxor.u32 $0x80000000, s5  }
0x6c: {  	vm0 =	veq.s32 v49, s5;
	vm1 =	veq.s32 v10, s5  }
0x6d: {  	v53 =	vsel vm0, $0x7F61B1E6, v41;
	v54 =	vsel vm1, $0x7F61B1E6, v42;
	vm0 =	veq.s32 v0, s5  }
0x6e: {  	v55 =	vsel vm0, $0x7F61B1E6, v43;
	v56 =	vmin.f32 v53, v54  }
0x6f: {  	v5 =	vmin.f32 v56, v55  }
0x70: {  	(xrf0) =	vmin.scan.msk.f32 $0xffff, v5;
	_ =	sdelay $0x5  }
0x71: {  	v5, _, _ =	vpop (xrf0)  }
0x72: {  	v5 =	vbroadcast v5, $0xF;
	_ =	sdelay $0x1  }
0x73: {  	vm0 =	veq.f32 v54, v5  }
0x74: {  	v57 =	vnsel vm0, $0x7FFFFFFF, v10  }
0x75: {  	vm0 =	vlt.s32 v49, v57  }
0x76: {  	vm1 =	veq.f32 v53, v5;
	v58 =	vsel vm0, v49, v57  }
0x77: {  	v6 =	vsel vm1, v58, v57  }
0x78: {  	vm0 =	vlt.s32 v6, v0  }
0x79: {  	vm1 =	veq.f32 v55, v5;
	v7 =	vsel vm0, v6, v0  }
0x7a: {  	v6 =	vsel vm1, v7, v6  }
0x7b: {  	v6 =	vxor.u32 $0x80000000, v6  }
0x7c: {  	(xrf0) =	vmin.scan.msk.u32 $0xffff, v6;
	_ =	sdelay $0x5  }
0x7d: {  	v6, _, _ =	vpop (xrf0)  }
0x7e: {  	(v2sf) =	vpush v6, $0xF;
	_ =	sdelay $0xe  }
0x7f: {  	s7 =	spop (v2sf)  }
0x80: {  	s7 =	sxor.u32 $0x80000000, s7  }
0x81: {  	vm0 =	veq.s32 v49, s7;
	vm1 =	veq.s32 v10, s7  }
0x82: {  	v1 =	vsel vm0, $0x7F61B1E6, v53;
	v2 =	vsel vm1, $0x7F61B1E6, v54;
	vm0 =	veq.s32 v0, s7  }
0x83: {  	v4 =	vsel vm0, $0x7F61B1E6, v55;
	v59 =	vmin.f32 v1, v2  }
0x84: {  	v6 =	vmin.f32 v59, v4  }
0x85: {  	(xrf0) =	vmin.scan.msk.f32 $0xffff, v6;
	_ =	sdelay $0x5  }
0x86: {  	v6, _, _ =	vpop (xrf0)  }
0x87: {  	v6 =	vbroadcast v6, $0xF;
	_ =	sdelay $0x1  }
0x88: {  	vm0 =	veq.f32 v2, v6  }
0x89: {  	v2 =	vnsel vm0, $0x7FFFFFFF, v10  }
0x8a: {  	vm0 =	vlt.s32 v49, v2  }
0x8b: {  	vm1 =	veq.f32 v1, v6;
	v60 =	vsel vm0, v49, v2  }
0x8c: {  	v1 =	vsel vm1, v60, v2  }
0x8d: {  	vm0 =	vlt.s32 v1, v0  }
0x8e: {  	vm1 =	veq.f32 v4, v6;
	v0 =	vsel vm0, v1, v0  }
0x8f: {  	v0 =	vsel vm1, v0, v1  }
0x90: {  	v0 =	vxor.u32 $0x80000000, v0  }
0x91: {  	(xrf0) =	vmin.scan.msk.u32 $0xffff, v0;
	_ =	sdelay $0x5  }
0x92: {  	v0, _, _ =	vpop (xrf0)  }
0x93: {  	(v2sf) =	vpush v0, $0xF;
	_ =	sdelay $0xe  }
0x94: {  	s9 =	spop (v2sf)  }
0x95: {  	s9 =	sxor.u32 $0x80000000, s9  }
0x96: {  	v61 =	vmov s9  }
0x97: {  	v62 =	vmov s7;
	v0 =	vbroadcast v61, $0x0  }
0x98: {  	vm3 =	vcmask $0x1714;
	v63 =	vmov s5;
	v1 =	vbroadcast v62, $0x0  }
0x99: {  	v2 =	vbroadcast v63, $0x0;
	vm0 =	vcmask $0x3F14;
	v0 =	vnsel vm3, $0x7F61B1E6, v0  }
0x9a: {  	v0 =	vsel vm0, v0, v1;
	vm0 =	vcmask $0x3F10  }
0x9b: {  	v0 =	vsel vm0, v0, v2;
	vm0 =	vcmask $0x3F0C  }
0x9c: {  	v0 =	vsel vm0, v0, v6;
	vm0 =	vcmask $0x3F08  }
0x9d: {  	v0 =	vsel vm0, v0, v5;
	vm0 =	vcmask $0x3F04  }
0x9e: {  	v0 =	vsel vm0, v0, v9  }
0x9f: {  	s31 =	simm.s32 $0x1880;
	s5 =	simm.s32 $0x0;
	[tilespmem:$0x1880] =	vst v0  }
0xa0: {  	[hbm4b:s6+s5] =	stream.linear.scatter [tilespmem:s31], [sflag:$0x2], $0x80, $0x38;
	[tilespmem:$0x2400] =	vst v63  }
0xa1: {  	p0 =	sne.s32 s2, $0x0;
	s6 =	simm.s32 $0x2  }
.Ltmp2:
0xa2: {  	_ =	swait.ge [sflag:s6], $0x80;
	(pc) =	sbr.rel @p0 .LBB2_5-.Ltmp2, $3  }
0xa3: {  	[sflag:s6] =	ssyncset.done $0x0  }
0xa4: {  	[sflag:s6] =	ssyncadd.s32 $0xFFFFFF80  }
0xa5: {  	[bflag:$0x0] =	sbarrier.arrive $0xFFFF;
	_ =	sdelay $0x1  }
0xa6: {  	v0 =	vimm.s32 $0xA9876543  }
0xa7: {  	vm0 =	vmmov $0x7;
	v3 =	vimm.s32 $0xE0D0C0B;
	vm1 =	vcmask $0x1F00  }
0xa8: {  	v4 =	vimm.s32 $0x86858483;
	vm15 =	vcmask $0x2F20;
	vm2 =	vcmask $0xF00  }
0xa9: {  	v35 =	vimm.s32 $0x8A898887;
	vm10 =	vcmask $0x1F10;
	v5 =	vimm.s32 $0x8E8D8C8B  }
0xaa: {  	v7 =	vimm.s32 $0x10F;
	vm4 =	vcmask $0x300;
	vm9 =	vcmask $0x704  }
0xab: {  	vm5 =	vcmask $0xB08;
	vm6 =	vcmask $0xF0C;
	v37 =	vimm.s32 $0x18F  }
0xac: {  	vm8 =	vcmask $0x1F1C;
	vm11 =	vcmask $0x2320;
	vm13 =	vcmask $0x2724  }
0xad: {  	v41 =	vimm.s32 $0x20F;
	vm12 =	vcmask $0x2B28;
	v8 =	vimm.s32 $0x28F  }
0xae: {  	v9 =	vimm.s32 $0x30F;
	v10 =	vimm.s32 $0x38F;
	v11 =	vimm.s32 $0x40F  }
0xaf: {  	v12 =	vimm.s32 $0x48F;
	v13 =	vimm.s32 $0x50F;
	v14 =	vimm.s32 $0x58F  }
0xb0: {  	v15 =	vimm.s32 $0x60F;
	v16 =	vimm.s32 $0x68F;
	v17 =	vimm.s32 $0x70F  }
0xb1: {  	v18 =	vimm.s32 $0x78F;
	v0 =	vunpack.c.l.s4.s8 v0;
	v3 =	vunpack.c.0.s8.s32 v3  }
0xb2: {  	v4 =	vunpack.c.0.s8.s32 v4;
	v5 =	vunpack.c.0.s8.s32 v5;
	v7 =	vsel vm4, $0x103, v7  }
0xb3: {  	vm7 =	vmmov vm11;
	v8 =	vsel vm4, $0x283, v8;
	v9 =	vsel vm4, $0x303, v9  }
0xb4: {  	v10 =	vsel vm4, $0x383, v10;
	v11 =	vsel vm4, $0x403, v11;
	v12 =	vsel vm4, $0x483, v12  }
0xb5: {  	v13 =	vsel vm4, $0x503, v13;
	v14 =	vsel vm4, $0x583, v14;
	v15 =	vsel vm4, $0x603, v15  }
0xb6: {  	v16 =	vsel vm4, $0x683, v16;
	v17 =	vsel vm4, $0x703, v17;
	v18 =	vsel vm4, $0x783, v18  }
0xb7: {  	v36 =	vsel vm9, $0x104, v7;
	v7 =	vsel vm4, $0x203, v41;
	v8 =	vsel vm9, $0x284, v8  }
0xb8: {  	v9 =	vsel vm9, $0x304, v9;
	v10 =	vsel vm9, $0x384, v10;
	v11 =	vsel vm9, $0x404, v11  }
0xb9: {  	v12 =	vsel vm9, $0x484, v12;
	v13 =	vsel vm9, $0x504, v13;
	v14 =	vsel vm9, $0x584, v14  }
0xba: {  	v15 =	vsel vm9, $0x604, v15;
	v16 =	vsel vm9, $0x684, v16;
	v17 =	vsel vm9, $0x704, v17  }
0xbb: {  	s7 =	simm.s32 $0x1900;
	v18 =	vsel vm9, $0x784, v18;
	v0 =	vunpack.c.0.s8.s32 v0;
	v34 =	vnsel vm2, $0x8F, v4  }
0xbc: {  	[tilespmem:s7], [sflag:$0x2] =	stream.linear.gather [hbm4b:s8+s5], $0x800, $0x38;
	v4 =	vunpack.c.0.s8.s32 v35;
	v7 =	vsel vm9, $0x204, v7;
	v8 =	vsel vm5, $0x285, v8;
	[tilespmem:$0x2400] =	vst v63  }
0xbd: {  	_ =	swait.ge [sflag:s6], $0x800;
	v9 =	vsel vm5, $0x305, v9;
	v10 =	vsel vm5, $0x385, v10;
	v11 =	vsel vm5, $0x405, v11  }
0xbe: {  	[sflag:s6] =	ssyncset.done $0x0;
	v12 =	vsel vm5, $0x485, v12;
	v13 =	vsel vm5, $0x505, v13;
	v14 =	vsel vm5, $0x585, v14  }
0xbf: {  	v15 =	vsel vm5, $0x605, v15;
	v16 =	vsel vm5, $0x685, v16;
	v17 =	vsel vm5, $0x705, v17;
	[sflag:s6] =	ssyncadd.s32 $0xFFFFF800  }
0xc0: {  	v18 =	vsel vm5, $0x785, v18;
	v7 =	vsel vm5, $0x205, v7;
	v8 =	vsel vm6, $0x286, v8;
	v1 =	vld [tilespmem:$0x1900]  }
0xc1: {  	v9 =	vsel vm6, $0x306, v9;
	v10 =	vsel vm6, $0x386, v10;
	v11 =	vsel vm6, $0x406, v11;
	v2 =	vld [tilespmem:$0x1980]  }
0xc2: {  	v12 =	vsel vm6, $0x486, v12;
	v13 =	vsel vm6, $0x506, v13;
	v14 =	vsel vm6, $0x586, v14;
	v6 =	vld [tilespmem:$0x1A00]  }
0xc3: {  	v15 =	vsel vm6, $0x606, v15;
	v16 =	vsel vm6, $0x686, v16;
	v0 =	vand.u32 $0xF, v0;
	v19 =	vld [tilespmem:$0x1A80]  }
0xc4: {  	v17 =	vsel vm6, $0x706, v17;
	v18 =	vsel vm6, $0x786, v18;
	v20 =	vld [tilespmem:$0x1B00];
	v0 =	vnsel vm1, $0xF, v0  }
0xc5: {  	v7 =	vsel vm6, $0x206, v7;
	v23 =	vld [tilespmem:$0x1B80];
	vm1 =	vcmask $0x1310;
	v3 =	vsel vm15, v3, v0  }
0xc6: {  	v25 =	vld [tilespmem:$0x1C00];
	v7 =	vsel vm1, $0x207, v7;
	v8 =	vsel vm1, $0x287, v8;
	v9 =	vsel vm1, $0x307, v9  }
0xc7: {  	v26 =	vld [tilespmem:$0x1C80];
	v10 =	vsel vm1, $0x387, v10;
	v11 =	vsel vm1, $0x407, v11;
	v12 =	vsel vm1, $0x487, v12  }
0xc8: {  	v45 =	vld [tilespmem:$0x1D00];
	v13 =	vsel vm1, $0x507, v13;
	v14 =	vsel vm1, $0x587, v14;
	v15 =	vsel vm1, $0x607, v15  }
0xc9: {  	v46 =	vld [tilespmem:$0x1D80];
	v16 =	vsel vm1, $0x687, v16;
	v17 =	vsel vm1, $0x707, v17;
	v18 =	vsel vm1, $0x787, v18  }
0xca: {  	v27 =	vld [tilespmem:$0x1E00];
	v7 =	vsel vm3, $0x208, v7;
	v8 =	vsel vm3, $0x288, v8;
	v9 =	vsel vm3, $0x308, v9  }
0xcb: {  	v29 =	vld [tilespmem:$0x1E80];
	v10 =	vsel vm3, $0x388, v10;
	v11 =	vsel vm3, $0x408, v11;
	v12 =	vsel vm3, $0x488, v12  }
0xcc: {  	v31 =	vld [tilespmem:$0x1F00];
	v13 =	vsel vm3, $0x508, v13;
	v14 =	vsel vm3, $0x588, v14;
	v15 =	vsel vm3, $0x608, v15  }
0xcd: {  	v32 =	vld [tilespmem:$0x2000];
	v16 =	vsel vm3, $0x688, v16;
	v17 =	vsel vm3, $0x708, v17;
	v18 =	vsel vm3, $0x788, v18  }
0xce: {  	v33 =	vld [tilespmem:$0x2080];
	v1 =	vnsel vm0, $0x7F61B1E6, v1;
	v63 =	vnsel vm0, $0x7F61B1E6, v2;
	v2 =	vsel vm10, v4, v34  }
0xcf: {  	v39 =	vnsel vm0, $0x7F61B1E6, v6;
	vm10 =	vcmask $0x1B18;
	v22 =	vnsel vm0, $0x7F61B1E6, v19  }
0xd0: {  	v24 =	vnsel vm0, $0x7F61B1E6, v20;
	v23 =	vnsel vm0, $0x7F61B1E6, v23;
	v43 =	vnsel vm0, $0x7F61B1E6, v25  }
0xd1: {  	v44 =	vnsel vm0, $0x7F61B1E6, v26;
	v25 =	vnsel vm0, $0x7F61B1E6, v45;
	v26 =	vnsel vm0, $0x7F61B1E6, v46  }
0xd2: {  	v27 =	vnsel vm0, $0x7F61B1E6, v27;
	v29 =	vnsel vm0, $0x7F61B1E6, v29;
	v31 =	vnsel vm0, $0x7F61B1E6, v31  }
0xd3: {  	v32 =	vnsel vm0, $0x7F61B1E6, v32;
	v33 =	vnsel vm0, $0x7F61B1E6, v33;
	v4 =	vsel vm15, v5, v2  }
0xd4: {  	v2 =	vsel vm5, $0x105, v36;
	v5 =	vsel vm4, $0x183, v37;
	v7 =	vsel vm10, $0x209, v7  }
0xd5: {  	v8 =	vsel vm10, $0x289, v8;
	v9 =	vsel vm10, $0x309, v9;
	v10 =	vsel vm10, $0x389, v10  }
0xd6: {  	v11 =	vsel vm10, $0x409, v11;
	v12 =	vsel vm10, $0x489, v12;
	v13 =	vsel vm10, $0x509, v13  }
0xd7: {  	v14 =	vsel vm10, $0x589, v14;
	v15 =	vsel vm10, $0x609, v15;
	v16 =	vsel vm10, $0x689, v16  }
0xd8: {  	v17 =	vsel vm10, $0x709, v17;
	v18 =	vsel vm10, $0x789, v18;
	vm2 =	vlt.f32 v1, $3.000000010e+38  }
0xd9: {  	v38 =	vsel vm6, $0x106, v2;
	v5 =	vsel vm9, $0x184, v5;
	v7 =	vsel vm8, $0x20A, v7  }
0xda: {  	v8 =	vsel vm8, $0x28A, v8;
	v9 =	vsel vm8, $0x30A, v9;
	v10 =	vsel vm8, $0x38A, v10  }
0xdb: {  	v11 =	vsel vm8, $0x40A, v11;
	v12 =	vsel vm8, $0x48A, v12;
	v13 =	vsel vm8, $0x50A, v13  }
0xdc: {  	v14 =	vsel vm8, $0x58A, v14;
	v15 =	vsel vm8, $0x60A, v15;
	v16 =	vsel vm8, $0x68A, v16  }
0xdd: {  	v17 =	vsel vm8, $0x70A, v17;
	v18 =	vsel vm8, $0x78A, v18;
	v21 =	vnsel vm2, $0x7F61B1E6, v1  }
0xde: {  	v4 =	vand.u32 $0xFF, v4;
	v40 =	vsel vm1, $0x107, v38;
	v5 =	vsel vm5, $0x185, v5  }
0xdf: {  	v7 =	vsel vm11, $0x20B, v7;
	v8 =	vsel vm11, $0x28B, v8;
	v9 =	vsel vm11, $0x30B, v9  }
0xe0: {  	v10 =	vsel vm11, $0x38B, v10;
	v11 =	vsel vm11, $0x40B, v11;
	v12 =	vsel vm11, $0x48B, v12  }
0xe1: {  	v13 =	vsel vm11, $0x50B, v13;
	v14 =	vsel vm11, $0x58B, v14;
	v15 =	vsel vm11, $0x60B, v15  }
0xe2: {  	v16 =	vsel vm11, $0x68B, v16;
	v17 =	vsel vm7, $0x70B, v17;
	v18 =	vsel vm7, $0x78B, v18  }
0xe3: {  	vm9 =	vlt.f32 v63, v21;
	v6 =	vsel vm3, $0x108, v40;
	v5 =	vsel vm6, $0x186, v5  }
0xe4: {  	v7 =	vsel vm13, $0x20C, v7;
	v8 =	vsel vm13, $0x28C, v8;
	v9 =	vsel vm13, $0x30C, v9  }
0xe5: {  	v10 =	vsel vm13, $0x38C, v10;
	v11 =	vsel vm13, $0x40C, v11;
	v12 =	vsel vm13, $0x48C, v12  }
0xe6: {  	v13 =	vsel vm13, $0x50C, v13;
	v14 =	vsel vm13, $0x58C, v14;
	v5 =	vsel vm1, $0x187, v5  }
0xe7: {  	v15 =	vsel vm13, $0x60C, v15;
	v21 =	vsel vm9, v63, v21;
	v5 =	vsel vm3, $0x188, v5  }
0xe8: {  	v6 =	vsel vm10, $0x109, v6;
	v5 =	vsel vm10, $0x189, v5;
	vm10 =	vlt.f32 v39, v21  }
0xe9: {  	v6 =	vsel vm8, $0x10A, v6;
	v5 =	vsel vm8, $0x18A, v5;
	v42 =	vsel vm10, v39, v21  }
0xea: {  	v6 =	vsel vm11, $0x10B, v6;
	v5 =	vsel vm11, $0x18B, v5;
	vm11 =	vlt.f32 v22, v42  }
0xeb: {  	v16 =	vsel vm13, $0x68C, v16;
	v17 =	vsel vm13, $0x70C, v17;
	v19 =	vsel vm11, v22, v42  }
0xec: {  	v18 =	vsel vm13, $0x78C, v18;
	v7 =	vsel vm12, $0x20D, v7;
	vm14 =	vlt.f32 v24, v19  }
0xed: {  	v8 =	vsel vm12, $0x28D, v8;
	v9 =	vsel vm12, $0x30D, v9;
	v19 =	vsel vm14, v24, v19  }
0xee: {  	v3 =	vld.idx.msk [tilespmem:v3+s7+$0x0], $0xffff;
	v10 =	vsel vm12, $0x38D, v10;
	v11 =	vsel vm12, $0x40D, v11;
	vm15 =	vlt.f32 v23, v19  }
0xef: {  	v12 =	vsel vm12, $0x48D, v12;
	v6 =	vsel vm13, $0x10C, v6;
	v19 =	vsel vm15, v23, v19  }
0xf0: {  	v13 =	vsel vm12, $0x50D, v13;
	v6 =	vsel vm12, $0x10D, v6;
	vm6 =	vlt.f32 v43, v19  }
0xf1: {  	v5 =	vsel vm13, $0x18C, v5;
	vm13 =	vcmask $0x2F2C;
	v19 =	vsel vm6, v43, v19  }
0xf2: {  	v6 =	vsel vm13, $0x10E, v6;
	v5 =	vsel vm12, $0x18D, v5;
	vm1 =	vlt.f32 v44, v19  }
0xf3: {  	v3 =	vnsel vm0, $0x7FFFFFFF, v3;
	v5 =	vsel vm13, $0x18E, v5;
	v47 =	vsel vm1, v44, v19  }
0xf4: {  	v14 =	vsel vm12, $0x58D, v14;
	v48 =	vnsel vm2, $0x7FFFFFFF, v3;
	vm2 =	vlt.f32 v25, v47  }
0xf5: {  	v51 =	vld [tilespmem:$0x1F80];
	v15 =	vsel vm12, $0x60D, v15;
	v7 =	vsel vm13, $0x20E, v7;
	v30 =	vsel vm2, v25, v47  }
0xf6: {  	v16 =	vsel vm12, $0x68D, v16;
	v17 =	vsel vm12, $0x70D, v17;
	v4 =	vld.idx.msk [tilespmem:v4+s7+$0x0], $0xffff;
	vm3 =	vlt.f32 v26, v30  }
0xf7: {  	v18 =	vsel vm12, $0x78D, v18;
	v8 =	vsel vm13, $0x28E, v8;
	v6 =	vld.idx.msk [tilespmem:v6+s7+$0x0], $0xffff;
	v30 =	vsel vm3, v26, v30  }
0xf8: {  	v9 =	vsel vm13, $0x30E, v9;
	v10 =	vsel vm13, $0x38E, v10;
	v28 =	vld.idx.msk [tilespmem:v5+s7+$0x0], $0xffff;
	vm7 =	vlt.f32 v27, v30  }
0xf9: {  	v11 =	vsel vm13, $0x40E, v11;
	v12 =	vsel vm13, $0x48E, v12;
	v30 =	vsel vm7, v27, v30  }
0xfa: {  	v13 =	vsel vm13, $0x50E, v13;
	v14 =	vsel vm13, $0x58E, v14;
	v7 =	vld.idx.msk [tilespmem:v7+s7+$0x0], $0xffff;
	vm5 =	vlt.f32 v29, v30  }
0xfb: {  	v15 =	vsel vm13, $0x60E, v15;
	v4 =	vnsel vm0, $0x7FFFFFFF, v4;
	v30 =	vsel vm5, v29, v30  }
0xfc: {  	v8 =	vld.idx.msk [tilespmem:v8+s7+$0x0], $0xffff;
	v19 =	vsel vm9, v4, v48;
	v49 =	vnsel vm0, $0x7FFFFFFF, v6;
	vm4 =	vlt.f32 v31, v30  }
0xfd: {  	v9 =	vld.idx.msk [tilespmem:v9+s7+$0x0], $0xffff;
	v50 =	vnsel vm0, $0x7FFFFFFF, v28;
	v28 =	vnsel vm0, $0x7F61B1E6, v51;
	v30 =	vsel vm4, v31, v30  }
0xfe: {  	v16 =	vsel vm13, $0x68E, v16;
	v10 =	vld.idx.msk [tilespmem:v10+s7+$0x0], $0xffff;
	v19 =	vsel vm10, v49, v19;
	vm12 =	vlt.f32 v28, v30  }
0xff: {  	v11 =	vld.idx.msk [tilespmem:v11+s7+$0x0], $0xffff;
	v7 =	vnsel vm0, $0x7FFFFFFF, v7;
	v19 =	vsel vm11, v50, v19;
	v30 =	vsel vm12, v28, v30  }
0x100: {  	v17 =	vsel vm13, $0x70E, v17;
	v12 =	vld.idx.msk [tilespmem:v12+s7+$0x0], $0xffff;
	v19 =	vsel vm14, v7, v19;
	vm14 =	vlt.f32 v32, v30  }
0x101: {  	v18 =	vsel vm13, $0x78E, v18;
	v13 =	vld.idx.msk [tilespmem:v13+s7+$0x0], $0xffff;
	v8 =	vnsel vm0, $0x7FFFFFFF, v8;
	v30 =	vsel vm14, v32, v30  }
0x102: {  	v14 =	vld.idx.msk [tilespmem:v14+s7+$0x0], $0xffff;
	v9 =	vnsel vm0, $0x7FFFFFFF, v9;
	v19 =	vsel vm15, v8, v19;
	vm15 =	vlt.f32 v33, v30  }
0x103: {  	v15 =	vld.idx.msk [tilespmem:v15+s7+$0x0], $0xffff;
	v10 =	vnsel vm0, $0x7FFFFFFF, v10;
	v19 =	vsel vm6, v9, v19;
	v30 =	vsel vm15, v33, v30  }
0x104: {  	v16 =	vld.idx.msk [tilespmem:v16+s7+$0x0], $0xffff;
	v11 =	vnsel vm0, $0x7FFFFFFF, v11;
	v19 =	vsel vm1, v10, v19;
	(xrf0) =	vmin.scan.msk.f32 $0xffff, v30  }
0x105: {  	v17 =	vld.idx.msk [tilespmem:v17+s7+$0x0], $0xffff;
	v12 =	vnsel vm0, $0x7FFFFFFF, v12;
	v19 =	vsel vm2, v11, v19  }
0x106: {  	v18 =	vld.idx.msk [tilespmem:v18+s7+$0x0], $0xffff;
	v13 =	vnsel vm0, $0x7FFFFFFF, v13;
	v19 =	vsel vm3, v12, v19  }
0x107: {  	v14 =	vnsel vm0, $0x7FFFFFFF, v14;
	v19 =	vsel vm7, v13, v19  }
0x108: {  	v15 =	vnsel vm0, $0x7FFFFFFF, v15;
	v19 =	vsel vm5, v14, v19  }
0x109: {  	v16 =	vnsel vm0, $0x7FFFFFFF, v16;
	v19 =	vsel vm4, v15, v19  }
0x10a: {  	v17 =	vnsel vm0, $0x7FFFFFFF, v17;
	v19 =	vsel vm12, v16, v19;
	v34, _, _ =	vpop (xrf0)  }
0x10b: {  	v18 =	vnsel vm0, $0x7FFFFFFF, v18;
	v35 =	vsel vm14, v17, v19;
	v52 =	vbroadcast v34, $0xF  }
0x10c: {  	v35 =	vsel vm15, v18, v35  }
0x10d: {  	v53 =	vxor.u32 $0x80000000, v35;
	vm7 =	veq.f32 v30, v52  }
0x10e: {  	v30 =	vnsel vm7, $0xFFFFFFFF, v53  }
0x10f: {  	(xrf0) =	vmin.scan.msk.u32 $0xffff, v30;
	_ =	sdelay $0x5  }
0x110: {  	(v2sf) =	vpush v34, $0xF;
	v30, _, _ =	vpop (xrf0)  }
0x111: {  	(v2sf) =	vpush v30, $0xF;
	_ =	sdelay $0xd  }
0x112: {  	s21 =	spop (v2sf)  }
0x113: {  	s22 =	spop (v2sf)  }
0x114: {  	s8 =	sxor.u32 $0x80000000, s22  }
0x115: {  	vm8 =	veq.s32 v3, s8  }
0x116: {  	v1 =	vsel vm8, $0x7F61B1E6, v1  }
0x117: {  	vm9 =	veq.s32 v4, s8;
	vm1 =	vlt.f32 v1, $3.000000010e+38  }
0x118: {  	v0 =	vsel vm9, $0x7F61B1E6, v63;
	v54 =	vnsel vm1, $0x7F61B1E6, v1  }
0x119: {  	vm10 =	veq.s32 v49, s8;
	vm2 =	vlt.f32 v0, v54  }
0x11a: {  	v2 =	vsel vm10, $0x7F61B1E6, v39;
	v30 =	vsel vm2, v0, v54  }
0x11b: {  	vm11 =	veq.s32 v50, s8;
	vm3 =	vlt.f32 v2, v30  }
0x11c: {  	v22 =	vsel vm11, $0x7F61B1E6, v22;
	v30 =	vsel vm3, v2, v30  }
0x11d: {  	vm12 =	veq.s32 v7, s8;
	vm4 =	vlt.f32 v22, v30  }
0x11e: {  	v24 =	vsel vm12, $0x7F61B1E6, v24;
	v30 =	vsel vm4, v22, v30  }
0x11f: {  	vm13 =	veq.s32 v8, s8;
	vm5 =	vlt.f32 v24, v30  }
0x120: {  	v23 =	vsel vm13, $0x7F61B1E6, v23;
	v30 =	vsel vm5, v24, v30  }
0x121: {  	vm14 =	veq.s32 v9, s8;
	vm6 =	vlt.f32 v23, v30  }
0x122: {  	v20 =	vsel vm14, $0x7F61B1E6, v43;
	v30 =	vsel vm6, v23, v30  }
0x123: {  	vm15 =	veq.s32 v10, s8;
	vm7 =	vlt.f32 v20, v30  }
0x124: {  	v21 =	vsel vm15, $0x7F61B1E6, v44;
	v30 =	vsel vm7, v20, v30  }
0x125: {  	vm12 =	veq.s32 v11, s8;
	vm8 =	vlt.f32 v21, v30  }
0x126: {  	v25 =	vsel vm12, $0x7F61B1E6, v25;
	v30 =	vsel vm8, v21, v30  }
0x127: {  	vm13 =	veq.s32 v12, s8;
	vm9 =	vlt.f32 v25, v30  }
0x128: {  	v26 =	vsel vm13, $0x7F61B1E6, v26;
	v30 =	vsel vm9, v25, v30  }
0x129: {  	vm11 =	veq.s32 v13, s8;
	vm10 =	vlt.f32 v26, v30  }
0x12a: {  	v27 =	vsel vm11, $0x7F61B1E6, v27;
	v30 =	vsel vm10, v26, v30  }
0x12b: {  	vm12 =	veq.s32 v14, s8;
	vm11 =	vlt.f32 v27, v30  }
0x12c: {  	v29 =	vsel vm12, $0x7F61B1E6, v29;
	v30 =	vsel vm11, v27, v30  }
0x12d: {  	vm13 =	veq.s32 v15, s8;
	vm12 =	vlt.f32 v29, v30  }
0x12e: {  	v31 =	vsel vm13, $0x7F61B1E6, v31;
	v30 =	vsel vm12, v29, v30  }
0x12f: {  	vm14 =	veq.s32 v16, s8;
	vm13 =	vlt.f32 v31, v30  }
0x130: {  	v28 =	vsel vm14, $0x7F61B1E6, v28;
	v55 =	vnsel vm1, $0x7FFFFFFF, v3;
	v30 =	vsel vm13, v31, v30  }
0x131: {  	vm14 =	veq.s32 v17, s8;
	v34 =	vsel vm2, v4, v55;
	vm1 =	vlt.f32 v28, v30  }
0x132: {  	v32 =	vsel vm14, $0x7F61B1E6, v32;
	v34 =	vsel vm3, v49, v34;
	v30 =	vsel vm1, v28, v30  }
0x133: {  	vm15 =	veq.s32 v18, s8;
	v34 =	vsel vm4, v50, v34;
	vm2 =	vlt.f32 v32, v30  }
0x134: {  	v33 =	vsel vm15, $0x7F61B1E6, v33;
	v34 =	vsel vm5, v7, v34;
	v30 =	vsel vm2, v32, v30  }
0x135: {  	v34 =	vsel vm6, v8, v34;
	vm3 =	vlt.f32 v33, v30  }
0x136: {  	v34 =	vsel vm7, v9, v34;
	v30 =	vsel vm3, v33, v30  }
0x137: {  	v34 =	vsel vm8, v10, v34;
	(xrf0) =	vmin.scan.msk.f32 $0xffff, v30  }
0x138: {  	v34 =	vsel vm9, v11, v34  }
0x139: {  	v34 =	vsel vm10, v12, v34  }
0x13a: {  	v34 =	vsel vm11, v13, v34  }
0x13b: {  	v34 =	vsel vm12, v14, v34  }
0x13c: {  	v34 =	vsel vm13, v15, v34  }
0x13d: {  	v34 =	vsel vm1, v16, v34;
	v56, _, _ =	vpop (xrf0)  }
0x13e: {  	v34 =	vsel vm2, v17, v34;
	v35 =	vbroadcast v56, $0xF  }
0x13f: {  	v34 =	vsel vm3, v18, v34  }
0x140: {  	v57 =	vxor.u32 $0x80000000, v34;
	vm4 =	veq.f32 v30, v35  }
0x141: {  	v30 =	vnsel vm4, $0xFFFFFFFF, v57  }
0x142: {  	(xrf0) =	vmin.scan.msk.u32 $0xffff, v30;
	_ =	sdelay $0x5  }
0x143: {  	v30, _, _ =	vpop (xrf0)  }
0x144: {  	(v2sf) =	vpush v30, $0xF;
	_ =	sdelay $0xe  }
0x145: {  	s9 =	spop (v2sf)  }
0x146: {  	s9 =	sxor.u32 $0x80000000, s9  }
0x147: {  	vm5 =	veq.s32 v3, s9  }
0x148: {  	v1 =	vsel vm5, $0x7F61B1E6, v1  }
0x149: {  	vm7 =	veq.s32 v4, s9;
	vm6 =	vlt.f32 v1, $3.000000010e+38  }
0x14a: {  	v0 =	vsel vm7, $0x7F61B1E6, v0;
	v1 =	vnsel vm6, $0x7F61B1E6, v1  }
0x14b: {  	vm8 =	veq.s32 v49, s9;
	vm2 =	vlt.f32 v0, v1  }
0x14c: {  	v60 =	vsel vm8, $0x7F61B1E6, v2;
	v0 =	vsel vm2, v0, v1  }
0x14d: {  	vm9 =	veq.s32 v50, s9;
	vm14 =	vlt.f32 v60, v0  }
0x14e: {  	v61 =	vsel vm9, $0x7F61B1E6, v22;
	v0 =	vsel vm14, v60, v0  }
0x14f: {  	vm10 =	veq.s32 v7, s9;
	vm15 =	vlt.f32 v61, v0  }
0x150: {  	v62 =	vsel vm10, $0x7F61B1E6, v24;
	v0 =	vsel vm15, v61, v0  }
0x151: {  	vm11 =	veq.s32 v8, s9;
	vm12 =	vlt.f32 v62, v0  }
0x152: {  	v63 =	vsel vm11, $0x7F61B1E6, v23;
	v0 =	vsel vm12, v62, v0  }
0x153: {  	vm13 =	veq.s32 v9, s9;
	vm8 =	vlt.f32 v63, v0  }
0x154: {  	v58 =	vimm.s32 $0x0;
	v22 =	vsel vm13, $0x7F61B1E6, v20;
	v0 =	vsel vm8, v63, v0  }
0x155: {  	vm4 =	veq.s32 v10, s9;
	v30 =	vsel vm6, $0xFFFFFFFF, v58;
	vm6 =	vlt.f32 v22, v0  }
0x156: {  	v59 =	vimm.s32 $0x0;
	v23 =	vsel vm4, $0x7F61B1E6, v21;
	v0 =	vsel vm6, v22, v0  }
0x157: {  	vm5 =	veq.s32 v11, s9;
	[tilespmem:$0x1FFE0] =	vst v30;
	v30 =	vsel vm2, $0xFFFFFFFF, v59;
	vm2 =	vlt.f32 v23, v0  }
0x158: {  	v24 =	vsel vm5, $0x7F61B1E6, v25;
	v0 =	vsel vm2, v23, v0  }
0x159: {  	vm7 =	veq.s32 v12, s9;
	vm3 =	vlt.f32 v24, v0  }
0x15a: {  	v25 =	vsel vm7, $0x7F61B1E6, v26;
	v0 =	vsel vm3, v24, v0  }
0x15b: {  	vm9 =	veq.s32 v13, s9;
	vm5 =	vlt.f32 v25, v0  }
0x15c: {  	v26 =	vsel vm9, $0x7F61B1E6, v27;
	v0 =	vsel vm5, v25, v0  }
0x15d: {  	vm10 =	veq.s32 v14, s9;
	vm7 =	vlt.f32 v26, v0  }
0x15e: {  	v27 =	vsel vm10, $0x7F61B1E6, v29;
	v0 =	vsel vm7, v26, v0  }
0x15f: {  	vm11 =	veq.s32 v15, s9;
	vm9 =	vlt.f32 v27, v0  }
0x160: {  	v29 =	vsel vm11, $0x7F61B1E6, v31;
	v0 =	vsel vm9, v27, v0  }
0x161: {  	vm13 =	veq.s32 v16, s9;
	vm10 =	vlt.f32 v29, v0  }
0x162: {  	[tilespmem:$0x1FFF0] =	vst v30;
	v30 =	vsel vm13, $0x7F61B1E6, v28;
	v0 =	vsel vm10, v29, v0  }
0x163: {  	vm4 =	veq.s32 v17, s9;
	vm11 =	vlt.f32 v30, v0  }
0x164: {  	v31 =	vsel vm4, $0x7F61B1E6, v32;
	v0 =	vsel vm11, v30, v0  }
0x165: {  	vm13 =	veq.s32 v18, s9;
	vm4 =	vlt.f32 v31, v0  }
0x166: {  	v32 =	vsel vm13, $0x7F61B1E6, v33;
	v0 =	vsel vm4, v31, v0  }
0x167: {  	vm1 =	vlt.f32 v32, v0  }
0x168: {  	v0 =	vsel vm1, v32, v0  }
0x169: {  	(xrf0) =	vmin.scan.msk.f32 $0xffff, v0;
	_ =	sdelay $0x5  }
0x16a: {  	v33, _, _ =	vpop (xrf0)  }
0x16b: {  	v1 =	vbroadcast v33, $0xF  }
0x16c: {  	vm13 =	vcmask $0xB08  }
0x16d: {  	v34 =	vnsel vm13, $0x3F800000, v1;
	vm13 =	vcmask $0x3F08  }
0x16e: {  	v2 =	vsel vm13, v34, v35;
	vm13 =	vcmask $0x3F04  }
0x16f: {  	v2 =	vsel vm13, v2, v52  }
0x170: {  	v19 =	vshra.s32 v2, $0x1  }
0x171: {  	v19 =	vadd.s32 $0x1FBD1DF5, v19  }
0x172: {  	(erf) = vrcp.f32 v19;
	_ =	sdelay $0x8  }
0x173: {  	v36 =	vpop (erf)  }
0x174: {  	v20 =	vmul.f32 v36, v2;
	_ =	sdelay $0x1  }
0x175: {  	v19 =	vadd.f32 v19, v20;
	_ =	sdelay $0x1  }
0x176: {  	v19 =	vmul.f32 $5.000000000e-01, v19;
	_ =	sdelay $0x1  }
0x177: {  	(erf) = vrcp.f32 v19;
	_ =	sdelay $0x8  }
0x178: {  	v37 =	vpop (erf)  }
0x179: {  	v20 =	vmul.f32 v37, v2;
	_ =	sdelay $0x1  }
0x17a: {  	v19 =	vadd.f32 v20, v19;
	_ =	sdelay $0x1  }
0x17b: {  	v19 =	vmul.f32 $5.000000000e-01, v19;
	_ =	sdelay $0x1  }
0x17c: {  	(erf) = vrcp.f32 v19;
	_ =	sdelay $0x8  }
0x17d: {  	v38 =	vpop (erf)  }
0x17e: {  	v20 =	vmul.f32 v38, v2;
	_ =	sdelay $0x1  }
0x17f: {  	v39 =	vld [tilespmem:$0x1FFE0];
	v19 =	vadd.f32 v20, v19  }
0x180: {  	v40 =	vld [tilespmem:$0x1FFF0]  }
0x181: {  	v19 =	vmul.f32 $5.000000000e-01, v19;
	_ =	sdelay $0x1  }
0x182: {  	(erf) = vrcp.f32 v19  }
0x183: {  	vm13 =	vnez.u8 v39  }
0x184: {  	v3 =	vnsel vm13, $0x7FFFFFFF, v3;
	vm13 =	vnez.u8 v40  }
0x185: {  	v3 =	vsel vm13, v4, v3  }
0x186: {  	v3 =	vsel vm14, v49, v3  }
0x187: {  	v3 =	vsel vm15, v50, v3  }
0x188: {  	v3 =	vsel vm12, v7, v3  }
0x189: {  	v3 =	vsel vm8, v8, v3  }
0x18a: {  	v3 =	vsel vm6, v9, v3  }
0x18b: {  	v3 =	vsel vm2, v10, v3;
	v41 =	vpop (erf)  }
0x18c: {  	v3 =	vsel vm3, v11, v3;
	v4 =	vmul.f32 v41, v2  }
0x18d: {  	v3 =	vsel vm5, v12, v3  }
0x18e: {  	v3 =	vsel vm7, v13, v3;
	v4 =	vadd.f32 v4, v19  }
0x18f: {  	v3 =	vsel vm9, v14, v3  }
0x190: {  	v3 =	vsel vm10, v15, v3;
	v4 =	vmul.f32 $5.000000000e-01, v4  }
0x191: {  	vm12 =	veq.f32 v2, $0.0e+00;
	v3 =	vsel vm11, v16, v3  }
0x192: {  	v3 =	vsel vm4, v17, v3;
	v43 =	vsel vm12, $0x0, v4  }
0x193: {  	v42 =	vsel vm1, v18, v3;
	vm2 =	veq.f32 v43, $0.0e+00  }
0x194: {  	vm13 =	veq.f32 v0, v1;
	v44 =	vxor.u32 $0x80000000, v42;
	v45 =	vsel vm2, $0x3F800000, v43  }
0x195: {  	v0 =	vnsel vm13, $0xFFFFFFFF, v44;
	(erf) = vrcp.f32 v45  }
0x196: {  	(xrf0) =	vmin.scan.msk.u32 $0xffff, v0;
	_ =	sdelay $0x5  }
0x197: {  	v0, _, _ =	vpop (xrf0)  }
0x198: {  	(v2sf) =	vpush v0, $0xF  }
0x199: {  	v46 =	vpop (erf)  }
0x19a: {  	v0 =	vnsel vm0, $0x0, v46  }
0x19b: {  	(xrf2) =	vadd.scan.msk.f32 $0xffff, v0;
	_ =	sdelay $0x2  }
0x19c: {  	v47 =	vimm.s32 $0xDBBA0;
	vm14 =	vcmask $0x300  }
0x19d: {  	v1 =	vsel vm14, $0x0, v47;
	vm15 =	vcmask $0x704  }
0x19e: {  	v1 =	vsel vm15, $0x186A0, v1;
	vm4 =	vcmask $0xB08  }
0x19f: {  	vm5 =	vcmask $0xF0C;
	v1 =	vsel vm4, $0x30D40, v1  }
0x1a0: {  	vm6 =	vcmask $0x1310;
	v1 =	vsel vm5, $0x493E0, v1  }
0x1a1: {  	vm7 =	vcmask $0x1714;
	v1 =	vsel vm6, $0x61A80, v1  }
0x1a2: {  	vm8 =	vcmask $0x1B18;
	v1 =	vsel vm7, $0x7A120, v1  }
0x1a3: {  	p0 =	sgt.s32 s8, $0x0;
	vm9 =	vcmask $0x1F1C;
	v1 =	vsel vm8, $0x927C0, v1;
	v48, _, _ =	vpop (xrf2)  }
0x1a4: {  	s8 =	simm.s32 @!p0 $0x0;
	vm10 =	vcmask $0x2320;
	v1 =	vsel vm9, $0xAAE60, v1;
	v2 =	vbroadcast v48, $0xF  }
0x1a5: {  	s8 =	smin.u32 s8, $0x1869F;
	p0 =	sgt.s32 s9, $0x0;
	v1 =	vsel vm10, $0xC3500, v1;
	s10 =	spop (v2sf)  }
0x1a6: {  	s9 =	simm.s32 @!p0 $0x0;
	v49 =	vadd.s32 s8, v1;
	s10 =	sxor.u32 $0x80000000, s10;
	(erf) = vrcp.f32 v2  }
0x1a7: {  	s23 =	smin.u32 s9, $0x1869F;
	p0 =	sgt.s32 s10, $0x0  }
0x1a8: {  	v50 =	vadd.s32 s23, v1;
	s10 =	simm.s32 @!p0 $0x0  }
0x1a9: {  	s24 =	smin.u32 s10, $0x1869F  }
0x1aa: {  	s25 =	simm.s32 $0x2100;
	vm11 =	vmmov $0xffff;
	v1 =	vadd.s32 s24, v1  }
0x1ab: {  	[tilespmem:s25], [sflag:$0x1] =	stream.indirect_vreg.gather [hbm4b:s4+s5], $0x1, v49, vm11, $0xb8;
	[tilespmem:$0x2400] =	vst v63  }
0x1ac: {  	s26 =	simm.s32 $0x2180  }
0x1ad: {  	[tilespmem:s26], [sflag:$0x1] =	stream.indirect_vreg.gather [hbm4b:s4+s5], $0x1, v50, vm11, $0xb8;
	[tilespmem:$0x2400] =	vst v63  }
0x1ae: {  	s28 =	simm.s32 $0x2200;
	s29 =	simm.s32 $0x1  }
0x1af: {  	[tilespmem:s28], [sflag:$0x1] =	stream.indirect_vreg.gather [hbm4b:s4+s5], $0x1, v1, vm11, $0xb8;
	v51 =	vpop (erf);
	[tilespmem:$0x2400] =	vst v63  }
0x1b0: {  	_ =	swait.ge [sflag:s29], $0x10  }
0x1b1: {  	[sflag:s29] =	ssyncset.done $0x0  }
0x1b2: {  	[sflag:s29] =	ssyncadd.s32 $0xFFFFFFF0  }
0x1b3: {  	p6 =	seq.f32 s21, $0.0e+00;
	v52 =	vimm.f32 $0.0e+00;
	v0 =	vmul.f32 v51, v0;
	_ =	swait.ge [sflag:s29], $0x10  }
0x1b4: {  	v1 =	vsel vm14, $0x3F800000, v52;
	[sflag:s29] =	ssyncset.done $0x0  }
0x1b5: {  	vm12 =	vmmov $0x1;
	v0 =	vpsel p6, v1, v0;
	[sflag:s29] =	ssyncadd.s32 $0xFFFFFFF0  }
0x1b6: {  	v1 =	vnsel vm12, $0x7F61B1E6, v0;
	_ =	swait.ge [sflag:s29], $0x10  }
0x1b7: {  	vm13 =	vcmask $0x308;
	(xrf0) =	vmin.scan.msk.f32 $0xffff, v1  }
0x1b8: {  	v53 =	vsel vm13, $0x7F61B1E6, v0;
	[sflag:s29] =	ssyncset.done $0x0  }
0x1b9: {  	vm14 =	vcmask $0x70C;
	[sflag:s29] =	ssyncadd.s32 $0xFFFFFFF0;
	(xrf0) =	vmin.scan.msk.f32 $0xffff, v53  }
0x1ba: {  	v0 =	vsel vm14, $0x7F61B1E6, v0;
	v54 =	vld [tilespmem:$0x2100]  }
0x1bb: {  	(xrf0) =	vmin.scan.msk.f32 $0xffff, v0  }
0x1bc: {  	v55 =	vld [tilespmem:$0x2180]  }
0x1bd: {  	v56, _, _ =	vpop (xrf0)  }
0x1be: {  	vm15 =	vmmov $0x3ff;
	v57 =	vld [tilespmem:$0x2200];
	v2 =	vbroadcast v56, $0xF  }
0x1bf: {  	v58, _, _ =	vpop (xrf0);
	v1 =	vnsel vm15, $0x0, v54  }
0x1c0: {  	v59 =	vbroadcast v58, $0xF;
	v1 =	vmul.f32 v2, v1  }
0x1c1: {  	v0 =	vnsel vm15, $0x0, v55;
	v60, _, _ =	vpop (xrf0)  }
0x1c2: {  	v61 =	vbroadcast v60, $0xF;
	v0 =	vmul.f32 v59, v0;
	v1 =	vadd.f32 $0.0e+00, v1  }
0x1c3: {  	v4 =	vnsel vm15, $0x0, v57  }
0x1c4: {  	v62 =	vmul.f32 v61, v4;
	v0 =	vadd.f32 v1, v0;
	_ =	sdelay $0x1  }
0x1c5: {  	v63 =	vnsel vm0, $0x0, v43;
	v0 =	vadd.f32 v0, v62  }
0x1c6: {  	[tilespmem:$0x2300] =	vst v63  }
0x1c7: {  	s30 =	simm.s32 $0x2300;
	[tilespmem:$0x2380] =	vst v0  }
0x1c8: {  	[hbm4b:s3+s5] =	stream.linear.scatter [tilespmem:s30], [sflag:$0x2], $0x80, $0x38;
	[tilespmem:$0x2400] =	vst v63  }
0x1c9: {  	_ =	swait.ge [sflag:s6], $0x80  }
0x1ca: {  	[sflag:s6] =	ssyncset.done $0x0  }
0x1cb: {  	s31 =	simm.s32 $0x2380;
	[sflag:s6] =	ssyncadd.s32 $0xFFFFFF80  }
0x1cc: {  	[hbm4b:s1+s5] =	stream.linear.scatter [tilespmem:s31], [sflag:$0x2], $0x80, $0x38;
	[tilespmem:$0x2400] =	vst v63  }
0x1cd: {  	_ =	swait.ge [sflag:s6], $0x80  }
0x1ce: {  	[sflag:s6] =	ssyncset.done $0x0  }
0x1cf: {  	[sflag:s6] =	ssyncadd.s32 $0xFFFFFF80  }
.LBB2_5:
0x1d0: {  	_ =	sfence.sel $0x180000  }
0x1d1: {  	[bflag:$0x0] =	sbarrier.arrive $0xFFFF  }
0x1d2: {  	p0 =	sne.s32 s2, $0x0;
	_ =	strace $0x90000047  }
0x1d3: {  	s0 =	sadd.s32 @!p0 $0x100000, s0;
	[bflag:$0x2] =	sbarrier.arrive $0xFFFF  }
0x1d4: {  	[sflag:s0] =	ssyncadd.tile.s32 @!p0 $0x1;
	_ =	shalt  }
.Lfunc_end2:
_tile_overlayer_lowered:
.L_overlay_start_2:
0x1d5: {  	(tag) =	ssettag $0x2  }
0x1d6: {  	s0 =	rddreg [dreg:$0x0];
	s2 =	stileid.u32  }
0x1d7: {  	s1 =	rddreg [dreg:$0x1];
	p0 =	sne.s32 s2, $0x0  }
0x1d8: {  	s3 =	rddreg [dreg:$0x2];
	[bflag:$0x3] =	sbarrier.arrive $0xFFFF;
	s2 =	simm.s32 @!p0 $0x1C02  }
0x1d9: {  	[timem:s3], [sflag:s2] =	dma.local @!p0 [hbm:s0], s1  }
0x1da: {  	s0 =	simm.s32 @!p0 $0x2  }
0x1db: {  	_ =	swait.ge @!p0 [sflag:s0], s1  }
0x1dc: {  	s1 =	ssub.s32 @!p0 $0x0, s1;
	[sflag:s0] =	ssyncset.done @!p0 $0x0  }
0x1dd: {  	[sflag:s0] =	ssyncadd.s32 @!p0 s1  }
0x1de: {  	[bflag:$0x3] =	sbarrier.arrive $0xFFFF  }
0x1df: {  	_ =	shalt  }

</sc_bundles>
